<compile_context>
chip_gen: v7x
topology: tpu7x:2x2x1
jax: 0.10.2.dev20260603
libtpu: 0.0.44.dev20260713+nightly
codegen_flags: <defaults>
</compile_context>

<pallas_src>
import functools

import jax
import jax.numpy as jnp
from jax import lax
from jax.experimental import pallas as pl
from jax.experimental.pallas import tpu as pltpu
from jax.experimental.pallas import tpu_sc as plsc

MIN_NORM = 1e-15
EPS = 4e-3

N_K = 10000
E_K = 320000
D_K = 128

NC = 2
NS = 16
NW = NC * NS
N_PAD = 10240
E_PAD = 327680
EPW = E_PAD // NW
CH = 128
NCH = EPW // CH
RPS = N_PAD // NS

D_W = 128
R_TC = 256
TC_GRID = N_PAD // R_TC



def _rnorm(x):
    return jnp.clip(jnp.sqrt(jnp.sum(x * x, axis=-1, keepdims=True)),
                    MIN_NORM, None)


def _artanh(x):
    x = jnp.clip(x, -1.0 + 1e-7, 1.0 - 1e-7)
    return 0.5 * (jnp.log1p(x) - jnp.log1p(-x))


def _proj(x):
    norm = _rnorm(x)
    maxnorm = 1.0 - EPS
    return jnp.where(norm > maxnorm, x / norm * maxnorm, x)


def _expmap0(u):
    un = _rnorm(u)
    return jnp.tanh(un) * u / un


def _logmap0(p):
    pn = _rnorm(p)
    return p / pn * _artanh(pn)


def _mobius_add(x, y):
    x2 = jnp.sum(x * x, -1, keepdims=True)
    y2 = jnp.sum(y * y, -1, keepdims=True)
    xy = jnp.sum(x * y, -1, keepdims=True)
    num = (1.0 + 2.0 * xy + y2) * x + (1.0 - x2) * y
    denom = 1.0 + 2.0 * xy + x2 * y2
    return num / jnp.clip(denom, MIN_NORM, None)


def _mobius_matvec(W, x):
    xn = _rnorm(x)
    mx = lax.dot_general(x, W, (((1,), (1,)), ((), ())),
                         preferred_element_type=jnp.float32)
    mxn = _rnorm(mx)
    res = jnp.tanh(mxn / xn * _artanh(xn)) * mx / mxn
    cond = jnp.max(jnp.abs(mx), axis=-1, keepdims=True) == 0.0
    return jnp.where(cond, 0.0, res)


def _hyplinear(x_hyp, W, b):
    hyp_b = _proj(_expmap0(b))
    mv = _proj(_mobius_matvec(W, x_hyp))
    return _proj(_mobius_add(mv, hyp_b))


def _rdeg(dg):
    deg = jnp.clip(
        jnp.sum(dg, axis=-1, keepdims=True) * (1.0 / D_W),
        1.0, None)
    return lax.rsqrt(deg)



def _head_body(x_ref, w_ref, b_ref, y_ref):
    x_hyp = _proj(_expmap0(x_ref[...]))
    h = _hyplinear(x_hyp, w_ref[...], b_ref[...])
    y_ref[...] = _logmap0(h)


def _scale_body(x_ref, dg_ref, y_ref):
    y_ref[...] = x_ref[...] * _rdeg(dg_ref[...])


def _mid_body(p_ref, dgi_ref, dgo_ref, w_ref, b_ref, y_ref):
    p = p_ref[...]
    agg = (p[0] + p[1]) * _rdeg(dgi_ref[...])
    h = _proj(_expmap0(agg))
    xt = jax.nn.relu(_logmap0(h))
    h1 = _proj(_expmap0(xt))
    h2 = _hyplinear(h1, w_ref[...], b_ref[...])
    y_ref[...] = _logmap0(h2) * _rdeg(dgo_ref[...])


def _tail_body(p_ref, dgi_ref, o_ref):
    p = p_ref[...]
    agg = (p[0] + p[1]) * _rdeg(dgi_ref[...])
    h = _proj(_expmap0(agg))
    xt = jax.nn.relu(_logmap0(h))
    o_ref[...] = _proj(_expmap0(xt))


_ROW = pl.BlockSpec((R_TC, D_K), lambda i: (i, 0))
_WMAT = pl.BlockSpec((D_K, D_K), lambda i: (0, 0))
_BVEC = pl.BlockSpec((1, D_K), lambda i: (0, 0))
_DEG = pl.BlockSpec((R_TC, D_W), lambda i: (i, 0))
_PART = pl.BlockSpec((2, R_TC, D_K), lambda i: (0, i, 0))
_OUT_SDS = jax.ShapeDtypeStruct((N_PAD, D_K), jnp.float32)


def _tc_head(x_pad, W1, b1):
    return pl.pallas_call(
        _head_body, grid=(TC_GRID,),
        in_specs=[_ROW, _WMAT, _BVEC],
        out_specs=_ROW, out_shape=_OUT_SDS,
    )(x_pad, W1, b1.reshape(1, D_K))


def _tc_scale(xt, dgo):
    return pl.pallas_call(
        _scale_body, grid=(TC_GRID,),
        in_specs=[_ROW, _DEG],
        out_specs=_ROW, out_shape=_OUT_SDS,
    )(xt, dgo)


def _tc_mid(p1, dgi, dgo, W2, b2):
    return pl.pallas_call(
        _mid_body, grid=(TC_GRID,),
        in_specs=[_PART, _DEG, _DEG, _WMAT, _BVEC],
        out_specs=_ROW, out_shape=_OUT_SDS,
    )(p1, dgi, dgo, W2, b2.reshape(1, D_K))


def _tc_tail(p2, dgi):
    return pl.pallas_call(
        _tail_body, grid=(TC_GRID,),
        in_specs=[_PART, _DEG],
        out_specs=_ROW, out_shape=_OUT_SDS,
    )(p2, dgi)



def _sc_mesh():
    return plsc.VectorSubcoreMesh(core_axis_name="c", subcore_axis_name="s")


def _sc_degrees(src, dst):
    EPS_DEG = E_PAD // NS
    NCH_DEG = EPS_DEG // CH

    @functools.partial(
        pl.kernel,
        out_type=(jax.ShapeDtypeStruct((N_PAD, D_W), jnp.float32),
                  jax.ShapeDtypeStruct((N_PAD, D_W), jnp.float32)),
        mesh=_sc_mesh(),
        scratch_types=[
            pltpu.VMEM((CH,), jnp.int32),
            pltpu.VMEM((CH,), jnp.int32),
            pltpu.VMEM((CH, D_W), jnp.float32),
            pltpu.VMEM_SHARED((N_PAD, D_W), jnp.float32),
            pltpu.SemaphoreType.DMA,
            pltpu.SemaphoreType.DMA,
        ],
    )
    def k(sd_hbm, ones_hbm, zeros_hbm, dgo_hbm, dgi_hbm, idx0, idx1,
          ones_v, acc, sem0, sem1):
        c = lax.axis_index("c")
        s = lax.axis_index("s")
        base = c * E_PAD + s * EPS_DEG
        rs = s * RPS
        pltpu.sync_copy(ones_hbm, ones_v)
        pltpu.sync_copy(zeros_hbm, acc.at[pl.ds(rs, RPS)])
        plsc.subcore_barrier()

        def scat(off, idx, sem):
            pltpu.sync_copy(sd_hbm.at[pl.ds(off, CH)], idx)
            pltpu.async_copy(ones_v, acc.at[idx], sem, add=True)

        def drain(idx, sem):
            pltpu.make_async_copy(ones_v, acc.at[idx], sem).wait()

        scat(base, idx0, sem0)
        scat(base + CH, idx1, sem1)

        @pl.loop(1, NCH_DEG // 2)
        def _(i):
            off = base + i * (2 * CH)
            drain(idx0, sem0)
            scat(off, idx0, sem0)
            drain(idx1, sem1)
            scat(off + CH, idx1, sem1)

        drain(idx0, sem0)
        drain(idx1, sem1)
        plsc.subcore_barrier()

        @pl.when(c == 0)
        def _():
            pltpu.sync_copy(acc.at[pl.ds(rs, RPS)], dgo_hbm.at[pl.ds(rs, RPS)])

        @pl.when(c == 1)
        def _():
            pltpu.sync_copy(acc.at[pl.ds(rs, RPS)], dgi_hbm.at[pl.ds(rs, RPS)])

    sd = jnp.concatenate([src, dst])
    return k(sd, jnp.ones((CH, D_W), jnp.float32),
             jnp.zeros((RPS, D_W), jnp.float32))


def _sc_aggregate(y, src, dst):
    @functools.partial(
        pl.kernel,
        out_type=jax.ShapeDtypeStruct((NC * N_PAD, D_K), jnp.float32),
        mesh=_sc_mesh(),
        scratch_types=[
            pltpu.VMEM((EPW,), jnp.int32),
            pltpu.VMEM((CH,), jnp.int32),
            pltpu.VMEM((CH,), jnp.int32),
            pltpu.VMEM((CH, D_K), jnp.float32),
            pltpu.VMEM((CH, D_K), jnp.float32),
            pltpu.VMEM_SHARED((N_PAD, D_K), jnp.float32),
            pltpu.SemaphoreType.DMA,
            pltpu.SemaphoreType.DMA,
            pltpu.SemaphoreType.DMA,
            pltpu.SemaphoreType.DMA,
        ],
    )
    def k(y_hbm, src_hbm, dst_hbm, zeros_hbm, out_hbm, sall,
          didx0, didx1, rows0, rows1, acc, gsem0, gsem1, ssem0, ssem1):
        c = lax.axis_index("c")
        s = lax.axis_index("s")
        base = (c * NS + s) * EPW
        rs = s * RPS
        pltpu.sync_copy(src_hbm.at[pl.ds(base, EPW)], sall)
        pltpu.sync_copy(zeros_hbm, acc.at[pl.ds(rs, RPS)])
        plsc.subcore_barrier()

        def gather(g, rows, gsem):
            return pltpu.async_copy(
                y_hbm.at[sall.at[pl.ds(g * CH, CH)]], rows, gsem)

        def scatter(g, didx, rows, ssem):
            pltpu.sync_copy(dst_hbm.at[pl.ds(base + g * CH, CH)], didx)
            pltpu.async_copy(rows, acc.at[didx], ssem, add=True)

        def drain(didx, rows, ssem):
            pltpu.make_async_copy(rows, acc.at[didx], ssem).wait()

        g0 = gather(0, rows0, gsem0)
        g1 = gather(1, rows1, gsem1)
        g0.wait()
        scatter(0, didx0, rows0, ssem0)
        g1.wait()
        scatter(1, didx1, rows1, ssem1)

        @pl.loop(1, NCH // 2)
        def _(i):
            drain(didx0, rows0, ssem0)
            ga = gather(2 * i, rows0, gsem0)
            drain(didx1, rows1, ssem1)
            gb = gather(2 * i + 1, rows1, gsem1)
            ga.wait()
            scatter(2 * i, didx0, rows0, ssem0)
            gb.wait()
            scatter(2 * i + 1, didx1, rows1, ssem1)

        drain(didx0, rows0, ssem0)
        drain(didx1, rows1, ssem1)
        plsc.subcore_barrier()
        wo = c * N_PAD + rs
        pltpu.sync_copy(acc.at[pl.ds(rs, RPS)], out_hbm.at[pl.ds(wo, RPS)])

    return k(y, src, dst,
             jnp.zeros((RPS, D_K), jnp.float32)).reshape(NC, N_PAD, D_K)



@jax.jit
def kernel(x, edge_index, W1, b1, W2, b2):
    x_pad = jnp.pad(x, ((0, N_PAD - N_K), (0, 0)))
    pad_idx = N_K + jnp.arange(E_PAD - E_K, dtype=jnp.int32) % (N_PAD - N_K)
    src = jnp.concatenate([edge_index[0], pad_idx])
    dst = jnp.concatenate([edge_index[1], pad_idx])

    xt1 = _tc_head(x_pad, W1, b1)
    dgo, dgi = _sc_degrees(src, dst)
    y1 = _tc_scale(xt1, dgo)
    p1 = _sc_aggregate(y1, src, dst)
    y2 = _tc_mid(p1, dgi, dgo, W2, b2)
    p2 = _sc_aggregate(y2, src, dst)
    out = _tc_tail(p2, dgi)
    return out[:N_K]

# --- scband reference (transcript-rebuilt; emitter-appended) ---
"""Pipeline reference for scband-hgcn-55516747268117 (READ-ONLY COPY).

The authoritative reference and input builder live on the scoring server;
editing this copy changes nothing except your own understanding.
"""

import jax, jax.numpy as jnp
import numpy as np

MIN_NORM = 1e-15
EPS = 4e-3
C = 1.0
N_NODES = 10000
E_EDGES = 320000
D = 128


def artanh(x):
    x = jnp.clip(x, -1.0 + 1e-7, 1.0 - 1e-7)
    return 0.5 * (jnp.log1p(x) - jnp.log1p(-x))


def _norm(x):
    return jnp.clip(jnp.linalg.norm(x, axis=-1, keepdims=True), MIN_NORM, None)


def proj(x, c):
    norm = _norm(x)
    maxnorm = (1.0 - EPS) / jnp.sqrt(c)
    return jnp.where(norm > maxnorm, x / norm * maxnorm, x)


def expmap0(u, c):
    sqrt_c = jnp.sqrt(c)
    u_norm = _norm(u)
    return jnp.tanh(sqrt_c * u_norm) * u / (sqrt_c * u_norm)


def logmap0(p, c):
    sqrt_c = jnp.sqrt(c)
    p_norm = _norm(p)
    return p / (sqrt_c * p_norm) * artanh(sqrt_c * p_norm)


def mobius_add(x, y, c):
    x2 = jnp.sum(x * x, -1, keepdims=True)
    y2 = jnp.sum(y * y, -1, keepdims=True)
    xy = jnp.sum(x * y, -1, keepdims=True)
    num = (1.0 + 2.0 * c * xy + c * y2) * x + (1.0 - c * x2) * y
    denom = 1.0 + 2.0 * c * xy + c * c * x2 * y2
    return num / jnp.clip(denom, MIN_NORM, None)


def mobius_matvec(m, x, c):
    sqrt_c = jnp.sqrt(c)
    x_norm = _norm(x)
    mx = x @ m.T
    mx_norm = _norm(mx)
    res_c = jnp.tanh(mx_norm / x_norm * artanh(sqrt_c * x_norm)) * mx / (mx_norm * sqrt_c)
    cond = jnp.all(mx == 0, axis=-1, keepdims=True)
    return jnp.where(cond, jnp.zeros_like(res_c), res_c)


def edge_weights(edge_index, n):
    src = edge_index[0]
    dst = edge_index[1]
    deg_out = jnp.clip(jnp.zeros((n,), jnp.float32).at[src].add(1.0), 1.0, None)
    deg_in = jnp.clip(jnp.zeros((n,), jnp.float32).at[dst].add(1.0), 1.0, None)
    return 1.0 / jnp.sqrt(deg_out[src] * deg_in[dst])


def hgc_layer(x, W, b, src, dst, w_edge, c_in, c_out, n):
    # HypLinear: mobius matvec + hyperbolic bias add
    mv = proj(mobius_matvec(W, x, c_in), c_in)
    hyp_b = proj(expmap0(b[None, :], c_in), c_in)
    h = proj(mobius_add(mv, hyp_b, c_in), c_in)
    # HypAgg: log-map to tangent space at origin, spmm with normalized adj, exp-map back
    xt = logmap0(h, c_in)
    msgs = xt[src] * w_edge[:, None]
    agg = jnp.zeros((n, xt.shape[-1]), xt.dtype).at[dst].add(msgs)
    h = proj(expmap0(agg, c_in), c_in)
    # HypAct: relu in tangent space, map to next curvature
    xt2 = jax.nn.relu(logmap0(h, c_in))
    return proj(expmap0(xt2, c_out), c_out)


def setup_inputs(seed: int = 0) -> dict:
    key = jax.random.key(seed)
    k1, k2, k3, k4 = jax.random.split(key, 4)
    x = jax.random.normal(k1, (N_NODES, D), jnp.float32) * 0.1
    edge_index = jax.random.randint(k2, (2, E_EDGES), 0, N_NODES, jnp.int32)
    W1 = jax.random.normal(k3, (D, D), jnp.float32) * (1.0 / np.sqrt(D))
    b1 = jnp.zeros((D,), jnp.float32)
    W2 = jax.random.normal(k4, (D, D), jnp.float32) * (1.0 / np.sqrt(D))
    b2 = jnp.zeros((D,), jnp.float32)
    return {"x": x, "edge_index": edge_index, "W1": W1, "b1": b1, "W2": W2, "b2": b2}


def reference(x, edge_index, W1, b1, W2, b2):
    src = edge_index[0]
    dst = edge_index[1]
    w_edge = edge_weights(edge_index, N_NODES)
    # HGCN.encode: map input features onto the Poincare ball
    x_tan = x  # proj_tan0 is identity on the Poincare ball
    x_hyp = proj(expmap0(x_tan, C), C)
    h = hgc_layer(x_hyp, W1, b1, src, dst, w_edge, C, C, N_NODES)
    h = hgc_layer(h, W2, b2, src, dst, w_edge, C, C, N_NODES)
    return h

if __name__ == "__main__":
    import jax
    _d = setup_inputs()
    print(jax.jit(kernel)(*tuple(_d.values())))

</pallas_src>

<mosaic_0001>
#map = affine_map<(d0, d1) -> (0)>
#map1 = affine_map<(d0, d1) -> (0, 0)>
module attributes {stable_mosaic.version = 14 : i64} {
  func.func @k(%arg0: i32, %arg1: i32, %arg2: memref<655360xi32, #tpu.memory_space<hbm>>, %arg3: memref<128x128xf32, #tpu.memory_space<hbm>>, %arg4: memref<640x128xf32, #tpu.memory_space<hbm>>, %arg5: memref<10240x128xf32, #tpu.memory_space<hbm>>, %arg6: memref<10240x128xf32, #tpu.memory_space<hbm>>, %arg7: memref<128xi32, #tpu.memory_space<vmem>>, %arg8: memref<128xi32, #tpu.memory_space<vmem>>, %arg9: memref<128x128xf32, #tpu.memory_space<vmem>>, %arg10: memref<10240x128xf32, #tpu.memory_space<vmem_shared>>, %arg11: memref<!tpu.dma_semaphore, #tpu.memory_space<semaphore_mem>>, %arg12: memref<!tpu.dma_semaphore, #tpu.memory_space<semaphore_mem>>) attributes {dimension_semantics = [#tpu.dimension_semantics<core_parallel>, #tpu.dimension_semantics<subcore_parallel>], iteration_bounds = array<i64: 2, 16>, scalar_prefetch = 0 : i64, scratch_operands = 6 : i64, tpu.core_type = #tpu.core_type<sc_vector_subcore>, window_params = [{transform_indices = #map}, {transform_indices = #map1}, {transform_indices = #map1}, {transform_indices = #map1}, {transform_indices = #map1}]} {
    %mul3A = arith.constant 327680 : i32
    %mul3A_0 = arith.muli %arg0, %mul3A : i32
    %mul3A_1 = arith.constant 20480 : i32
    %mul3A_2 = arith.muli %arg1, %mul3A_1 : i32
    %add3A = arith.addi %mul3A_0, %mul3A_2 : i32
    %mul3A_3 = arith.constant 640 : i32
    %mul3A_4 = arith.muli %arg1, %mul3A_3 : i32
    "tpu.region"() ({
      %run_scoped3A = tpu.sem_alloc : memref<!tpu.dma_semaphore, #tpu.memory_space<semaphore_mem>>
      tpu.enqueue_dma source(%arg3 : memref<128x128xf32, #tpu.memory_space<hbm>>) target(%arg9 : memref<128x128xf32, #tpu.memory_space<vmem>>) target_semaphore(%run_scoped3A : memref<!tpu.dma_semaphore, #tpu.memory_space<semaphore_mem>>)
      tpu.wait_dma2 semaphore(%run_scoped3A : memref<!tpu.dma_semaphore, #tpu.memory_space<semaphore_mem>>) src(%arg3 : memref<128x128xf32, #tpu.memory_space<hbm>>) dst(%arg9 : memref<128x128xf32, #tpu.memory_space<vmem>>)
      tpu.yield
    }) : () -> ()
    "tpu.region"() ({
      %run_scoped3A = tpu.sem_alloc : memref<!tpu.dma_semaphore, #tpu.memory_space<semaphore_mem>>
      %dma_start3A_29 = arith.constant 0 : i32
      %dma_start3A_30 = tpu.memref_slice %arg10[%mul3A_4, %dma_start3A_29] : memref<10240x128xf32, #tpu.memory_space<vmem_shared>> -> memref<640x128xf32, #tpu.memory_space<vmem_shared>>
      tpu.enqueue_dma source(%arg4 : memref<640x128xf32, #tpu.memory_space<hbm>>) target(%dma_start3A_30 : memref<640x128xf32, #tpu.memory_space<vmem_shared>>) target_semaphore(%run_scoped3A : memref<!tpu.dma_semaphore, #tpu.memory_space<semaphore_mem>>)
      %dma_wait3A_31 = arith.constant 0 : i32
      %dma_wait3A_32 = tpu.memref_slice %arg10[%mul3A_4, %dma_wait3A_31] : memref<10240x128xf32, #tpu.memory_space<vmem_shared>> -> memref<640x128xf32, #tpu.memory_space<vmem_shared>>
      tpu.wait_dma2 semaphore(%run_scoped3A : memref<!tpu.dma_semaphore, #tpu.memory_space<semaphore_mem>>) src(%arg4 : memref<640x128xf32, #tpu.memory_space<hbm>>) dst(%dma_wait3A_32 : memref<640x128xf32, #tpu.memory_space<vmem_shared>>)
      tpu.yield
    }) : () -> ()
    %barrier3A = arith.constant 0 : index
    tpu.barrier barrier_id(%barrier3A)
    "tpu.region"() ({
      %run_scoped3A = tpu.sem_alloc : memref<!tpu.dma_semaphore, #tpu.memory_space<semaphore_mem>>
      %dma_start3A_29 = tpu.memref_slice %arg2[%add3A] : memref<655360xi32, #tpu.memory_space<hbm>> -> memref<128xi32, #tpu.memory_space<hbm>>
      %dma_start3A_30 = tpu.memref_slice %arg2[%add3A] : memref<655360xi32, #tpu.memory_space<hbm>> -> memref<128xi32, #tpu.memory_space<hbm>>
      tpu.enqueue_dma source(%dma_start3A_30 : memref<128xi32, #tpu.memory_space<hbm>>) target(%arg7 : memref<128xi32, #tpu.memory_space<vmem>>) target_semaphore(%run_scoped3A : memref<!tpu.dma_semaphore, #tpu.memory_space<semaphore_mem>>)
      %dma_wait3A_31 = tpu.memref_slice %arg2[%add3A] : memref<655360xi32, #tpu.memory_space<hbm>> -> memref<128xi32, #tpu.memory_space<hbm>>
      %dma_wait3A_32 = tpu.memref_slice %arg2[%add3A] : memref<655360xi32, #tpu.memory_space<hbm>> -> memref<128xi32, #tpu.memory_space<hbm>>
      tpu.wait_dma2 semaphore(%run_scoped3A : memref<!tpu.dma_semaphore, #tpu.memory_space<semaphore_mem>>) src(%dma_wait3A_32 : memref<128xi32, #tpu.memory_space<hbm>>) dst(%arg7 : memref<128xi32, #tpu.memory_space<vmem>>)
      tpu.yield
    }) : () -> ()
    %dma_start3A = arith.constant 0 : i32
    %dma_start3A_5 = arith.constant 0 : i32
    %dma_start3A_6 = tpu.memref_slice %arg10[%dma_start3A, %dma_start3A_5] : memref<10240x128xf32, #tpu.memory_space<vmem_shared>> -> memref<10240x128xf32, #tpu.memory_space<vmem_shared>>
    tpu.enqueue_indirect_dma source(%arg9 : memref<128x128xf32, #tpu.memory_space<vmem>>) target(%dma_start3A_6 : memref<10240x128xf32, #tpu.memory_space<vmem_shared>>) offsets(%arg7 : memref<128xi32, #tpu.memory_space<vmem>>) semaphore(%arg11 : memref<!tpu.dma_semaphore, #tpu.memory_space<semaphore_mem>>) {add = true}
    %add3A_7 = arith.constant 128 : i32
    %add3A_8 = arith.addi %add3A, %add3A_7 : i32
    "tpu.region"() ({
      %run_scoped3A = tpu.sem_alloc : memref<!tpu.dma_semaphore, #tpu.memory_space<semaphore_mem>>
      %dma_start3A_29 = tpu.memref_slice %arg2[%add3A_8] : memref<655360xi32, #tpu.memory_space<hbm>> -> memref<128xi32, #tpu.memory_space<hbm>>
      %dma_start3A_30 = tpu.memref_slice %arg2[%add3A_8] : memref<655360xi32, #tpu.memory_space<hbm>> -> memref<128xi32, #tpu.memory_space<hbm>>
      tpu.enqueue_dma source(%dma_start3A_30 : memref<128xi32, #tpu.memory_space<hbm>>) target(%arg8 : memref<128xi32, #tpu.memory_space<vmem>>) target_semaphore(%run_scoped3A : memref<!tpu.dma_semaphore, #tpu.memory_space<semaphore_mem>>)
      %dma_wait3A_31 = tpu.memref_slice %arg2[%add3A_8] : memref<655360xi32, #tpu.memory_space<hbm>> -> memref<128xi32, #tpu.memory_space<hbm>>
      %dma_wait3A_32 = tpu.memref_slice %arg2[%add3A_8] : memref<655360xi32, #tpu.memory_space<hbm>> -> memref<128xi32, #tpu.memory_space<hbm>>
      tpu.wait_dma2 semaphore(%run_scoped3A : memref<!tpu.dma_semaphore, #tpu.memory_space<semaphore_mem>>) src(%dma_wait3A_32 : memref<128xi32, #tpu.memory_space<hbm>>) dst(%arg8 : memref<128xi32, #tpu.memory_space<vmem>>)
      tpu.yield
    }) : () -> ()
    %dma_start3A_9 = arith.constant 0 : i32
    %dma_start3A_10 = arith.constant 0 : i32
    %dma_start3A_11 = tpu.memref_slice %arg10[%dma_start3A_9, %dma_start3A_10] : memref<10240x128xf32, #tpu.memory_space<vmem_shared>> -> memref<10240x128xf32, #tpu.memory_space<vmem_shared>>
    tpu.enqueue_indirect_dma source(%arg9 : memref<128x128xf32, #tpu.memory_space<vmem>>) target(%dma_start3A_11 : memref<10240x128xf32, #tpu.memory_space<vmem_shared>>) offsets(%arg8 : memref<128xi32, #tpu.memory_space<vmem>>) semaphore(%arg12 : memref<!tpu.dma_semaphore, #tpu.memory_space<semaphore_mem>>) {add = true}
    %scan3A = arith.constant 0 : i32
    %scan3A_12 = arith.constant 79 : i32
    %scan3A_13 = arith.addi %scan3A, %scan3A_12 : i32
    %scan3A_14 = arith.constant 1 : i32
    scf.for %scan3A_29 = %scan3A to %scan3A_13 step %scan3A_14  : i32 {
      %mul3A_30 = arith.constant 1 : i32
      %mul3A_31 = arith.muli %scan3A_29, %mul3A_30 : i32
      %add3A_32 = arith.constant 1 : i32
      %add3A_33 = arith.addi %add3A_32, %mul3A_31 : i32
      %mul3A_34 = arith.constant 256 : i32
      %mul3A_35 = arith.muli %add3A_33, %mul3A_34 : i32
      %add3A_36 = arith.addi %add3A, %mul3A_35 : i32
      %dma_wait3A_37 = arith.constant 0 : i32
      %dma_wait3A_38 = arith.constant 0 : i32
      %dma_wait3A_39 = tpu.memref_slice %arg10[%dma_wait3A_37, %dma_wait3A_38] : memref<10240x128xf32, #tpu.memory_space<vmem_shared>> -> memref<10240x128xf32, #tpu.memory_space<vmem_shared>>
      tpu.wait_indirect_dma semaphore(%arg11 : memref<!tpu.dma_semaphore, #tpu.memory_space<semaphore_mem>>) src(%arg9 : memref<128x128xf32, #tpu.memory_space<vmem>>) dst(%dma_wait3A_39 : memref<10240x128xf32, #tpu.memory_space<vmem_shared>>)
      "tpu.region"() ({
        %run_scoped3A = tpu.sem_alloc : memref<!tpu.dma_semaphore, #tpu.memory_space<semaphore_mem>>
        %dma_start3A_51 = tpu.memref_slice %arg2[%add3A_36] : memref<655360xi32, #tpu.memory_space<hbm>> -> memref<128xi32, #tpu.memory_space<hbm>>
        %dma_start3A_52 = tpu.memref_slice %arg2[%add3A_36] : memref<655360xi32, #tpu.memory_space<hbm>> -> memref<128xi32, #tpu.memory_space<hbm>>
        tpu.enqueue_dma source(%dma_start3A_52 : memref<128xi32, #tpu.memory_space<hbm>>) target(%arg7 : memref<128xi32, #tpu.memory_space<vmem>>) target_semaphore(%run_scoped3A : memref<!tpu.dma_semaphore, #tpu.memory_space<semaphore_mem>>)
        %dma_wait3A_53 = tpu.memref_slice %arg2[%add3A_36] : memref<655360xi32, #tpu.memory_space<hbm>> -> memref<128xi32, #tpu.memory_space<hbm>>
        %dma_wait3A_54 = tpu.memref_slice %arg2[%add3A_36] : memref<655360xi32, #tpu.memory_space<hbm>> -> memref<128xi32, #tpu.memory_space<hbm>>
        tpu.wait_dma2 semaphore(%run_scoped3A : memref<!tpu.dma_semaphore, #tpu.memory_space<semaphore_mem>>) src(%dma_wait3A_54 : memref<128xi32, #tpu.memory_space<hbm>>) dst(%arg7 : memref<128xi32, #tpu.memory_space<vmem>>)
        tpu.yield
      }) : () -> ()
      %dma_start3A_40 = arith.constant 0 : i32
      %dma_start3A_41 = arith.constant 0 : i32
      %dma_start3A_42 = tpu.memref_slice %arg10[%dma_start3A_40, %dma_start3A_41] : memref<10240x128xf32, #tpu.memory_space<vmem_shared>> -> memref<10240x128xf32, #tpu.memory_space<vmem_shared>>
      tpu.enqueue_indirect_dma source(%arg9 : memref<128x128xf32, #tpu.memory_space<vmem>>) target(%dma_start3A_42 : memref<10240x128xf32, #tpu.memory_space<vmem_shared>>) offsets(%arg7 : memref<128xi32, #tpu.memory_space<vmem>>) semaphore(%arg11 : memref<!tpu.dma_semaphore, #tpu.memory_space<semaphore_mem>>) {add = true}
      %dma_wait3A_43 = arith.constant 0 : i32
      %dma_wait3A_44 = arith.constant 0 : i32
      %dma_wait3A_45 = tpu.memref_slice %arg10[%dma_wait3A_43, %dma_wait3A_44] : memref<10240x128xf32, #tpu.memory_space<vmem_shared>> -> memref<10240x128xf32, #tpu.memory_space<vmem_shared>>
      tpu.wait_indirect_dma semaphore(%arg12 : memref<!tpu.dma_semaphore, #tpu.memory_space<semaphore_mem>>) src(%arg9 : memref<128x128xf32, #tpu.memory_space<vmem>>) dst(%dma_wait3A_45 : memref<10240x128xf32, #tpu.memory_space<vmem_shared>>)
      %add3A_46 = arith.constant 128 : i32
      %add3A_47 = arith.addi %add3A_36, %add3A_46 : i32
      "tpu.region"() ({
        %run_scoped3A = tpu.sem_alloc : memref<!tpu.dma_semaphore, #tpu.memory_space<semaphore_mem>>
        %dma_start3A_51 = tpu.memref_slice %arg2[%add3A_47] : memref<655360xi32, #tpu.memory_space<hbm>> -> memref<128xi32, #tpu.memory_space<hbm>>
        %dma_start3A_52 = tpu.memref_slice %arg2[%add3A_47] : memref<655360xi32, #tpu.memory_space<hbm>> -> memref<128xi32, #tpu.memory_space<hbm>>
        tpu.enqueue_dma source(%dma_start3A_52 : memref<128xi32, #tpu.memory_space<hbm>>) target(%arg8 : memref<128xi32, #tpu.memory_space<vmem>>) target_semaphore(%run_scoped3A : memref<!tpu.dma_semaphore, #tpu.memory_space<semaphore_mem>>)
        %dma_wait3A_53 = tpu.memref_slice %arg2[%add3A_47] : memref<655360xi32, #tpu.memory_space<hbm>> -> memref<128xi32, #tpu.memory_space<hbm>>
        %dma_wait3A_54 = tpu.memref_slice %arg2[%add3A_47] : memref<655360xi32, #tpu.memory_space<hbm>> -> memref<128xi32, #tpu.memory_space<hbm>>
        tpu.wait_dma2 semaphore(%run_scoped3A : memref<!tpu.dma_semaphore, #tpu.memory_space<semaphore_mem>>) src(%dma_wait3A_54 : memref<128xi32, #tpu.memory_space<hbm>>) dst(%arg8 : memref<128xi32, #tpu.memory_space<vmem>>)
        tpu.yield
      }) : () -> ()
      %dma_start3A_48 = arith.constant 0 : i32
      %dma_start3A_49 = arith.constant 0 : i32
      %dma_start3A_50 = tpu.memref_slice %arg10[%dma_start3A_48, %dma_start3A_49] : memref<10240x128xf32, #tpu.memory_space<vmem_shared>> -> memref<10240x128xf32, #tpu.memory_space<vmem_shared>>
      tpu.enqueue_indirect_dma source(%arg9 : memref<128x128xf32, #tpu.memory_space<vmem>>) target(%dma_start3A_50 : memref<10240x128xf32, #tpu.memory_space<vmem_shared>>) offsets(%arg8 : memref<128xi32, #tpu.memory_space<vmem>>) semaphore(%arg12 : memref<!tpu.dma_semaphore, #tpu.memory_space<semaphore_mem>>) {add = true}
    }
    %scan3A_15 = arith.constant 79 : i32
    %dma_wait3A = arith.constant 0 : i32
    %dma_wait3A_16 = arith.constant 0 : i32
    %dma_wait3A_17 = tpu.memref_slice %arg10[%dma_wait3A, %dma_wait3A_16] : memref<10240x128xf32, #tpu.memory_space<vmem_shared>> -> memref<10240x128xf32, #tpu.memory_space<vmem_shared>>
    tpu.wait_indirect_dma semaphore(%arg11 : memref<!tpu.dma_semaphore, #tpu.memory_space<semaphore_mem>>) src(%arg9 : memref<128x128xf32, #tpu.memory_space<vmem>>) dst(%dma_wait3A_17 : memref<10240x128xf32, #tpu.memory_space<vmem_shared>>)
    %dma_wait3A_18 = arith.constant 0 : i32
    %dma_wait3A_19 = arith.constant 0 : i32
    %dma_wait3A_20 = tpu.memref_slice %arg10[%dma_wait3A_18, %dma_wait3A_19] : memref<10240x128xf32, #tpu.memory_space<vmem_shared>> -> memref<10240x128xf32, #tpu.memory_space<vmem_shared>>
    tpu.wait_indirect_dma semaphore(%arg12 : memref<!tpu.dma_semaphore, #tpu.memory_space<semaphore_mem>>) src(%arg9 : memref<128x128xf32, #tpu.memory_space<vmem>>) dst(%dma_wait3A_20 : memref<10240x128xf32, #tpu.memory_space<vmem_shared>>)
    %barrier3A_21 = arith.constant 0 : index
    tpu.barrier barrier_id(%barrier3A_21)
    %eq3A = arith.constant 0 : i32
    %eq3A_22 = arith.cmpi eq, %arg0, %eq3A : i32
    %convert_element_type3A = arith.extui %eq3A_22 : i1 to i32
    %cond3A = arith.constant 0 : i32
    %cond3A_23 = arith.cmpi ne, %convert_element_type3A, %cond3A : i32
    scf.if %cond3A_23 {
      "tpu.region"() ({
        %run_scoped3A = tpu.sem_alloc : memref<!tpu.dma_semaphore, #tpu.memory_space<semaphore_mem>>
        %dma_start3A_29 = arith.constant 0 : i32
        %dma_start3A_30 = tpu.memref_slice %arg5[%mul3A_4, %dma_start3A_29] : memref<10240x128xf32, #tpu.memory_space<hbm>> -> memref<640x128xf32, #tpu.memory_space<hbm>>
        %dma_start3A_31 = arith.constant 0 : i32
        %dma_start3A_32 = tpu.memref_slice %arg10[%mul3A_4, %dma_start3A_31] : memref<10240x128xf32, #tpu.memory_space<vmem_shared>> -> memref<640x128xf32, #tpu.memory_space<vmem_shared>>
        tpu.enqueue_dma source(%dma_start3A_32 : memref<640x128xf32, #tpu.memory_space<vmem_shared>>) target(%dma_start3A_30 : memref<640x128xf32, #tpu.memory_space<hbm>>) target_semaphore(%run_scoped3A : memref<!tpu.dma_semaphore, #tpu.memory_space<semaphore_mem>>)
        %dma_wait3A_33 = arith.constant 0 : i32
        %dma_wait3A_34 = tpu.memref_slice %arg5[%mul3A_4, %dma_wait3A_33] : memref<10240x128xf32, #tpu.memory_space<hbm>> -> memref<640x128xf32, #tpu.memory_space<hbm>>
        %dma_wait3A_35 = arith.constant 0 : i32
        %dma_wait3A_36 = tpu.memref_slice %arg10[%mul3A_4, %dma_wait3A_35] : memref<10240x128xf32, #tpu.memory_space<vmem_shared>> -> memref<640x128xf32, #tpu.memory_space<vmem_shared>>
        tpu.wait_dma2 semaphore(%run_scoped3A : memref<!tpu.dma_semaphore, #tpu.memory_space<semaphore_mem>>) src(%dma_wait3A_36 : memref<640x128xf32, #tpu.memory_space<vmem_shared>>) dst(%dma_wait3A_34 : memref<640x128xf32, #tpu.memory_space<hbm>>)
        tpu.yield
      }) : () -> ()
    } else {
    }
    %eq3A_24 = arith.constant 1 : i32
    %eq3A_25 = arith.cmpi eq, %arg0, %eq3A_24 : i32
    %convert_element_type3A_26 = arith.extui %eq3A_25 : i1 to i32
    %cond3A_27 = arith.constant 0 : i32
    %cond3A_28 = arith.cmpi ne, %convert_element_type3A_26, %cond3A_27 : i32
    scf.if %cond3A_28 {
      "tpu.region"() ({
        %run_scoped3A = tpu.sem_alloc : memref<!tpu.dma_semaphore, #tpu.memory_space<semaphore_mem>>
        %dma_start3A_29 = arith.constant 0 : i32
        %dma_start3A_30 = tpu.memref_slice %arg6[%mul3A_4, %dma_start3A_29] : memref<10240x128xf32, #tpu.memory_space<hbm>> -> memref<640x128xf32, #tpu.memory_space<hbm>>
        %dma_start3A_31 = arith.constant 0 : i32
        %dma_start3A_32 = tpu.memref_slice %arg10[%mul3A_4, %dma_start3A_31] : memref<10240x128xf32, #tpu.memory_space<vmem_shared>> -> memref<640x128xf32, #tpu.memory_space<vmem_shared>>
        tpu.enqueue_dma source(%dma_start3A_32 : memref<640x128xf32, #tpu.memory_space<vmem_shared>>) target(%dma_start3A_30 : memref<640x128xf32, #tpu.memory_space<hbm>>) target_semaphore(%run_scoped3A : memref<!tpu.dma_semaphore, #tpu.memory_space<semaphore_mem>>)
        %dma_wait3A_33 = arith.constant 0 : i32
        %dma_wait3A_34 = tpu.memref_slice %arg6[%mul3A_4, %dma_wait3A_33] : memref<10240x128xf32, #tpu.memory_space<hbm>> -> memref<640x128xf32, #tpu.memory_space<hbm>>
        %dma_wait3A_35 = arith.constant 0 : i32
        %dma_wait3A_36 = tpu.memref_slice %arg10[%mul3A_4, %dma_wait3A_35] : memref<10240x128xf32, #tpu.memory_space<vmem_shared>> -> memref<640x128xf32, #tpu.memory_space<vmem_shared>>
        tpu.wait_dma2 semaphore(%run_scoped3A : memref<!tpu.dma_semaphore, #tpu.memory_space<semaphore_mem>>) src(%dma_wait3A_36 : memref<640x128xf32, #tpu.memory_space<vmem_shared>>) dst(%dma_wait3A_34 : memref<640x128xf32, #tpu.memory_space<hbm>>)
        tpu.yield
      }) : () -> ()
    } else {
    }
    return
  }
}

#map = affine_map<(d0, d1) -> (0, 0)>
#map1 = affine_map<(d0, d1) -> (0)>
module attributes {stable_mosaic.version = 14 : i64} {
  func.func @k(%arg0: i32, %arg1: i32, %arg2: memref<10240x128xf32, #tpu.memory_space<hbm>>, %arg3: memref<327680xi32, #tpu.memory_space<hbm>>, %arg4: memref<327680xi32, #tpu.memory_space<hbm>>, %arg5: memref<640x128xf32, #tpu.memory_space<hbm>>, %arg6: memref<20480x128xf32, #tpu.memory_space<hbm>>, %arg7: memref<10240xi32, #tpu.memory_space<vmem>>, %arg8: memref<128xi32, #tpu.memory_space<vmem>>, %arg9: memref<128xi32, #tpu.memory_space<vmem>>, %arg10: memref<128x128xf32, #tpu.memory_space<vmem>>, %arg11: memref<128x128xf32, #tpu.memory_space<vmem>>, %arg12: memref<10240x128xf32, #tpu.memory_space<vmem_shared>>, %arg13: memref<!tpu.dma_semaphore, #tpu.memory_space<semaphore_mem>>, %arg14: memref<!tpu.dma_semaphore, #tpu.memory_space<semaphore_mem>>, %arg15: memref<!tpu.dma_semaphore, #tpu.memory_space<semaphore_mem>>, %arg16: memref<!tpu.dma_semaphore, #tpu.memory_space<semaphore_mem>>) attributes {dimension_semantics = [#tpu.dimension_semantics<core_parallel>, #tpu.dimension_semantics<subcore_parallel>], iteration_bounds = array<i64: 2, 16>, scalar_prefetch = 0 : i64, scratch_operands = 10 : i64, tpu.core_type = #tpu.core_type<sc_vector_subcore>, window_params = [{transform_indices = #map}, {transform_indices = #map1}, {transform_indices = #map1}, {transform_indices = #map}, {transform_indices = #map}]} {
    %mul3A = arith.constant 16 : i32
    %mul3A_0 = arith.muli %arg0, %mul3A : i32
    %add3A = arith.addi %mul3A_0, %arg1 : i32
    %mul3A_1 = arith.constant 10240 : i32
    %mul3A_2 = arith.muli %add3A, %mul3A_1 : i32
    %mul3A_3 = arith.constant 640 : i32
    %mul3A_4 = arith.muli %arg1, %mul3A_3 : i32
    "tpu.region"() ({
      %run_scoped3A = tpu.sem_alloc : memref<!tpu.dma_semaphore, #tpu.memory_space<semaphore_mem>>
      %dma_start3A_47 = tpu.memref_slice %arg3[%mul3A_2] : memref<327680xi32, #tpu.memory_space<hbm>> -> memref<10240xi32, #tpu.memory_space<hbm>>
      %dma_start3A_48 = tpu.memref_slice %arg3[%mul3A_2] : memref<327680xi32, #tpu.memory_space<hbm>> -> memref<10240xi32, #tpu.memory_space<hbm>>
      tpu.enqueue_dma source(%dma_start3A_48 : memref<10240xi32, #tpu.memory_space<hbm>>) target(%arg7 : memref<10240xi32, #tpu.memory_space<vmem>>) target_semaphore(%run_scoped3A : memref<!tpu.dma_semaphore, #tpu.memory_space<semaphore_mem>>)
      %dma_wait3A_49 = tpu.memref_slice %arg3[%mul3A_2] : memref<327680xi32, #tpu.memory_space<hbm>> -> memref<10240xi32, #tpu.memory_space<hbm>>
      %dma_wait3A_50 = tpu.memref_slice %arg3[%mul3A_2] : memref<327680xi32, #tpu.memory_space<hbm>> -> memref<10240xi32, #tpu.memory_space<hbm>>
      tpu.wait_dma2 semaphore(%run_scoped3A : memref<!tpu.dma_semaphore, #tpu.memory_space<semaphore_mem>>) src(%dma_wait3A_50 : memref<10240xi32, #tpu.memory_space<hbm>>) dst(%arg7 : memref<10240xi32, #tpu.memory_space<vmem>>)
      tpu.yield
    }) : () -> ()
    "tpu.region"() ({
      %run_scoped3A = tpu.sem_alloc : memref<!tpu.dma_semaphore, #tpu.memory_space<semaphore_mem>>
      %dma_start3A_47 = arith.constant 0 : i32
      %dma_start3A_48 = tpu.memref_slice %arg12[%mul3A_4, %dma_start3A_47] : memref<10240x128xf32, #tpu.memory_space<vmem_shared>> -> memref<640x128xf32, #tpu.memory_space<vmem_shared>>
      tpu.enqueue_dma source(%arg5 : memref<640x128xf32, #tpu.memory_space<hbm>>) target(%dma_start3A_48 : memref<640x128xf32, #tpu.memory_space<vmem_shared>>) target_semaphore(%run_scoped3A : memref<!tpu.dma_semaphore, #tpu.memory_space<semaphore_mem>>)
      %dma_wait3A_49 = arith.constant 0 : i32
      %dma_wait3A_50 = tpu.memref_slice %arg12[%mul3A_4, %dma_wait3A_49] : memref<10240x128xf32, #tpu.memory_space<vmem_shared>> -> memref<640x128xf32, #tpu.memory_space<vmem_shared>>
      tpu.wait_dma2 semaphore(%run_scoped3A : memref<!tpu.dma_semaphore, #tpu.memory_space<semaphore_mem>>) src(%arg5 : memref<640x128xf32, #tpu.memory_space<hbm>>) dst(%dma_wait3A_50 : memref<640x128xf32, #tpu.memory_space<vmem_shared>>)
      tpu.yield
    }) : () -> ()
    %barrier3A = arith.constant 0 : index
    tpu.barrier barrier_id(%barrier3A)
    %dma_start3A = arith.constant 0 : i32
    %dma_start3A_5 = tpu.memref_slice %arg7[%dma_start3A] : memref<10240xi32, #tpu.memory_space<vmem>> -> memref<128xi32, #tpu.memory_space<vmem>>
    %dma_start3A_6 = arith.constant 0 : i32
    %dma_start3A_7 = arith.constant 0 : i32
    %dma_start3A_8 = tpu.memref_slice %arg2[%dma_start3A_6, %dma_start3A_7] : memref<10240x128xf32, #tpu.memory_space<hbm>> -> memref<10240x128xf32, #tpu.memory_space<hbm>>
    tpu.enqueue_indirect_dma source(%dma_start3A_8 : memref<10240x128xf32, #tpu.memory_space<hbm>>) target(%arg10 : memref<128x128xf32, #tpu.memory_space<vmem>>) offsets(%dma_start3A_5 : memref<128xi32, #tpu.memory_space<vmem>>) semaphore(%arg13 : memref<!tpu.dma_semaphore, #tpu.memory_space<semaphore_mem>>)
    %dma_start3A_9 = arith.constant 128 : i32
    %dma_start3A_10 = tpu.memref_slice %arg7[%dma_start3A_9] : memref<10240xi32, #tpu.memory_space<vmem>> -> memref<128xi32, #tpu.memory_space<vmem>>
    %dma_start3A_11 = arith.constant 0 : i32
    %dma_start3A_12 = arith.constant 0 : i32
    %dma_start3A_13 = tpu.memref_slice %arg2[%dma_start3A_11, %dma_start3A_12] : memref<10240x128xf32, #tpu.memory_space<hbm>> -> memref<10240x128xf32, #tpu.memory_space<hbm>>
    tpu.enqueue_indirect_dma source(%dma_start3A_13 : memref<10240x128xf32, #tpu.memory_space<hbm>>) target(%arg11 : memref<128x128xf32, #tpu.memory_space<vmem>>) offsets(%dma_start3A_10 : memref<128xi32, #tpu.memory_space<vmem>>) semaphore(%arg14 : memref<!tpu.dma_semaphore, #tpu.memory_space<semaphore_mem>>)
    %dma_wait3A = arith.constant 0 : i32
    %dma_wait3A_14 = tpu.memref_slice %arg7[%dma_wait3A] : memref<10240xi32, #tpu.memory_space<vmem>> -> memref<128xi32, #tpu.memory_space<vmem>>
    %dma_wait3A_15 = arith.constant 0 : i32
    %dma_wait3A_16 = arith.constant 0 : i32
    %dma_wait3A_17 = tpu.memref_slice %arg2[%dma_wait3A_15, %dma_wait3A_16] : memref<10240x128xf32, #tpu.memory_space<hbm>> -> memref<10240x128xf32, #tpu.memory_space<hbm>>
    tpu.wait_indirect_dma semaphore(%arg13 : memref<!tpu.dma_semaphore, #tpu.memory_space<semaphore_mem>>) src(%dma_wait3A_17 : memref<10240x128xf32, #tpu.memory_space<hbm>>) dst(%arg10 : memref<128x128xf32, #tpu.memory_space<vmem>>)
    %add3A_18 = arith.constant 0 : i32
    %add3A_19 = arith.addi %mul3A_2, %add3A_18 : i32
    "tpu.region"() ({
      %run_scoped3A = tpu.sem_alloc : memref<!tpu.dma_semaphore, #tpu.memory_space<semaphore_mem>>
      %dma_start3A_47 = tpu.memref_slice %arg4[%add3A_19] : memref<327680xi32, #tpu.memory_space<hbm>> -> memref<128xi32, #tpu.memory_space<hbm>>
      %dma_start3A_48 = tpu.memref_slice %arg4[%add3A_19] : memref<327680xi32, #tpu.memory_space<hbm>> -> memref<128xi32, #tpu.memory_space<hbm>>
      tpu.enqueue_dma source(%dma_start3A_48 : memref<128xi32, #tpu.memory_space<hbm>>) target(%arg8 : memref<128xi32, #tpu.memory_space<vmem>>) target_semaphore(%run_scoped3A : memref<!tpu.dma_semaphore, #tpu.memory_space<semaphore_mem>>)
      %dma_wait3A_49 = tpu.memref_slice %arg4[%add3A_19] : memref<327680xi32, #tpu.memory_space<hbm>> -> memref<128xi32, #tpu.memory_space<hbm>>
      %dma_wait3A_50 = tpu.memref_slice %arg4[%add3A_19] : memref<327680xi32, #tpu.memory_space<hbm>> -> memref<128xi32, #tpu.memory_space<hbm>>
      tpu.wait_dma2 semaphore(%run_scoped3A : memref<!tpu.dma_semaphore, #tpu.memory_space<semaphore_mem>>) src(%dma_wait3A_50 : memref<128xi32, #tpu.memory_space<hbm>>) dst(%arg8 : memref<128xi32, #tpu.memory_space<vmem>>)
      tpu.yield
    }) : () -> ()
    %dma_start3A_20 = arith.constant 0 : i32
    %dma_start3A_21 = arith.constant 0 : i32
    %dma_start3A_22 = tpu.memref_slice %arg12[%dma_start3A_20, %dma_start3A_21] : memref<10240x128xf32, #tpu.memory_space<vmem_shared>> -> memref<10240x128xf32, #tpu.memory_space<vmem_shared>>
    tpu.enqueue_indirect_dma source(%arg10 : memref<128x128xf32, #tpu.memory_space<vmem>>) target(%dma_start3A_22 : memref<10240x128xf32, #tpu.memory_space<vmem_shared>>) offsets(%arg8 : memref<128xi32, #tpu.memory_space<vmem>>) semaphore(%arg15 : memref<!tpu.dma_semaphore, #tpu.memory_space<semaphore_mem>>) {add = true}
    %dma_wait3A_23 = arith.constant 128 : i32
    %dma_wait3A_24 = tpu.memref_slice %arg7[%dma_wait3A_23] : memref<10240xi32, #tpu.memory_space<vmem>> -> memref<128xi32, #tpu.memory_space<vmem>>
    %dma_wait3A_25 = arith.constant 0 : i32
    %dma_wait3A_26 = arith.constant 0 : i32
    %dma_wait3A_27 = tpu.memref_slice %arg2[%dma_wait3A_25, %dma_wait3A_26] : memref<10240x128xf32, #tpu.memory_space<hbm>> -> memref<10240x128xf32, #tpu.memory_space<hbm>>
    tpu.wait_indirect_dma semaphore(%arg14 : memref<!tpu.dma_semaphore, #tpu.memory_space<semaphore_mem>>) src(%dma_wait3A_27 : memref<10240x128xf32, #tpu.memory_space<hbm>>) dst(%arg11 : memref<128x128xf32, #tpu.memory_space<vmem>>)
    %add3A_28 = arith.constant 128 : i32
    %add3A_29 = arith.addi %mul3A_2, %add3A_28 : i32
    "tpu.region"() ({
      %run_scoped3A = tpu.sem_alloc : memref<!tpu.dma_semaphore, #tpu.memory_space<semaphore_mem>>
      %dma_start3A_47 = tpu.memref_slice %arg4[%add3A_29] : memref<327680xi32, #tpu.memory_space<hbm>> -> memref<128xi32, #tpu.memory_space<hbm>>
      %dma_start3A_48 = tpu.memref_slice %arg4[%add3A_29] : memref<327680xi32, #tpu.memory_space<hbm>> -> memref<128xi32, #tpu.memory_space<hbm>>
      tpu.enqueue_dma source(%dma_start3A_48 : memref<128xi32, #tpu.memory_space<hbm>>) target(%arg9 : memref<128xi32, #tpu.memory_space<vmem>>) target_semaphore(%run_scoped3A : memref<!tpu.dma_semaphore, #tpu.memory_space<semaphore_mem>>)
      %dma_wait3A_49 = tpu.memref_slice %arg4[%add3A_29] : memref<327680xi32, #tpu.memory_space<hbm>> -> memref<128xi32, #tpu.memory_space<hbm>>
      %dma_wait3A_50 = tpu.memref_slice %arg4[%add3A_29] : memref<327680xi32, #tpu.memory_space<hbm>> -> memref<128xi32, #tpu.memory_space<hbm>>
      tpu.wait_dma2 semaphore(%run_scoped3A : memref<!tpu.dma_semaphore, #tpu.memory_space<semaphore_mem>>) src(%dma_wait3A_50 : memref<128xi32, #tpu.memory_space<hbm>>) dst(%arg9 : memref<128xi32, #tpu.memory_space<vmem>>)
      tpu.yield
    }) : () -> ()
    %dma_start3A_30 = arith.constant 0 : i32
    %dma_start3A_31 = arith.constant 0 : i32
    %dma_start3A_32 = tpu.memref_slice %arg12[%dma_start3A_30, %dma_start3A_31] : memref<10240x128xf32, #tpu.memory_space<vmem_shared>> -> memref<10240x128xf32, #tpu.memory_space<vmem_shared>>
    tpu.enqueue_indirect_dma source(%arg11 : memref<128x128xf32, #tpu.memory_space<vmem>>) target(%dma_start3A_32 : memref<10240x128xf32, #tpu.memory_space<vmem_shared>>) offsets(%arg9 : memref<128xi32, #tpu.memory_space<vmem>>) semaphore(%arg16 : memref<!tpu.dma_semaphore, #tpu.memory_space<semaphore_mem>>) {add = true}
    %scan3A = arith.constant 0 : i32
    %scan3A_33 = arith.constant 39 : i32
    %scan3A_34 = arith.addi %scan3A, %scan3A_33 : i32
    %scan3A_35 = arith.constant 1 : i32
    scf.for %scan3A_47 = %scan3A to %scan3A_34 step %scan3A_35  : i32 {
      %mul3A_48 = arith.constant 1 : i32
      %mul3A_49 = arith.muli %scan3A_47, %mul3A_48 : i32
      %add3A_50 = arith.constant 1 : i32
      %add3A_51 = arith.addi %add3A_50, %mul3A_49 : i32
      %dma_wait3A_52 = arith.constant 0 : i32
      %dma_wait3A_53 = arith.constant 0 : i32
      %dma_wait3A_54 = tpu.memref_slice %arg12[%dma_wait3A_52, %dma_wait3A_53] : memref<10240x128xf32, #tpu.memory_space<vmem_shared>> -> memref<10240x128xf32, #tpu.memory_space<vmem_shared>>
      tpu.wait_indirect_dma semaphore(%arg15 : memref<!tpu.dma_semaphore, #tpu.memory_space<semaphore_mem>>) src(%arg10 : memref<128x128xf32, #tpu.memory_space<vmem>>) dst(%dma_wait3A_54 : memref<10240x128xf32, #tpu.memory_space<vmem_shared>>)
      %mul3A_55 = arith.constant 2 : i32
      %mul3A_56 = arith.muli %mul3A_55, %add3A_51 : i32
      %mul3A_57 = arith.constant 128 : i32
      %mul3A_58 = arith.muli %mul3A_56, %mul3A_57 : i32
      %dma_start3A_59 = tpu.memref_slice %arg7[%mul3A_58] : memref<10240xi32, #tpu.memory_space<vmem>> -> memref<128xi32, #tpu.memory_space<vmem>>
      %dma_start3A_60 = arith.constant 0 : i32
      %dma_start3A_61 = arith.constant 0 : i32
      %dma_start3A_62 = tpu.memref_slice %arg2[%dma_start3A_60, %dma_start3A_61] : memref<10240x128xf32, #tpu.memory_space<hbm>> -> memref<10240x128xf32, #tpu.memory_space<hbm>>
      tpu.enqueue_indirect_dma source(%dma_start3A_62 : memref<10240x128xf32, #tpu.memory_space<hbm>>) target(%arg10 : memref<128x128xf32, #tpu.memory_space<vmem>>) offsets(%dma_start3A_59 : memref<128xi32, #tpu.memory_space<vmem>>) semaphore(%arg13 : memref<!tpu.dma_semaphore, #tpu.memory_space<semaphore_mem>>)
      %dma_wait3A_63 = arith.constant 0 : i32
      %dma_wait3A_64 = arith.constant 0 : i32
      %dma_wait3A_65 = tpu.memref_slice %arg12[%dma_wait3A_63, %dma_wait3A_64] : memref<10240x128xf32, #tpu.memory_space<vmem_shared>> -> memref<10240x128xf32, #tpu.memory_space<vmem_shared>>
      tpu.wait_indirect_dma semaphore(%arg16 : memref<!tpu.dma_semaphore, #tpu.memory_space<semaphore_mem>>) src(%arg11 : memref<128x128xf32, #tpu.memory_space<vmem>>) dst(%dma_wait3A_65 : memref<10240x128xf32, #tpu.memory_space<vmem_shared>>)
      %mul3A_66 = arith.constant 2 : i32
      %mul3A_67 = arith.muli %mul3A_66, %add3A_51 : i32
      %add3A_68 = arith.constant 1 : i32
      %add3A_69 = arith.addi %mul3A_67, %add3A_68 : i32
      %mul3A_70 = arith.constant 128 : i32
      %mul3A_71 = arith.muli %add3A_69, %mul3A_70 : i32
      %dma_start3A_72 = tpu.memref_slice %arg7[%mul3A_71] : memref<10240xi32, #tpu.memory_space<vmem>> -> memref<128xi32, #tpu.memory_space<vmem>>
      %dma_start3A_73 = arith.constant 0 : i32
      %dma_start3A_74 = arith.constant 0 : i32
      %dma_start3A_75 = tpu.memref_slice %arg2[%dma_start3A_73, %dma_start3A_74] : memref<10240x128xf32, #tpu.memory_space<hbm>> -> memref<10240x128xf32, #tpu.memory_space<hbm>>
      tpu.enqueue_indirect_dma source(%dma_start3A_75 : memref<10240x128xf32, #tpu.memory_space<hbm>>) target(%arg11 : memref<128x128xf32, #tpu.memory_space<vmem>>) offsets(%dma_start3A_72 : memref<128xi32, #tpu.memory_space<vmem>>) semaphore(%arg14 : memref<!tpu.dma_semaphore, #tpu.memory_space<semaphore_mem>>)
      %dma_wait3A_76 = tpu.memref_slice %arg7[%mul3A_58] : memref<10240xi32, #tpu.memory_space<vmem>> -> memref<128xi32, #tpu.memory_space<vmem>>
      %dma_wait3A_77 = arith.constant 0 : i32
      %dma_wait3A_78 = arith.constant 0 : i32
      %dma_wait3A_79 = tpu.memref_slice %arg2[%dma_wait3A_77, %dma_wait3A_78] : memref<10240x128xf32, #tpu.memory_space<hbm>> -> memref<10240x128xf32, #tpu.memory_space<hbm>>
      tpu.wait_indirect_dma semaphore(%arg13 : memref<!tpu.dma_semaphore, #tpu.memory_space<semaphore_mem>>) src(%dma_wait3A_79 : memref<10240x128xf32, #tpu.memory_space<hbm>>) dst(%arg10 : memref<128x128xf32, #tpu.memory_space<vmem>>)
      %mul3A_80 = arith.constant 2 : i32
      %mul3A_81 = arith.muli %mul3A_80, %add3A_51 : i32
      %mul3A_82 = arith.constant 128 : i32
      %mul3A_83 = arith.muli %mul3A_81, %mul3A_82 : i32
      %add3A_84 = arith.addi %mul3A_2, %mul3A_83 : i32
      "tpu.region"() ({
        %run_scoped3A = tpu.sem_alloc : memref<!tpu.dma_semaphore, #tpu.memory_space<semaphore_mem>>
        %dma_start3A_102 = tpu.memref_slice %arg4[%add3A_84] : memref<327680xi32, #tpu.memory_space<hbm>> -> memref<128xi32, #tpu.memory_space<hbm>>
        %dma_start3A_103 = tpu.memref_slice %arg4[%add3A_84] : memref<327680xi32, #tpu.memory_space<hbm>> -> memref<128xi32, #tpu.memory_space<hbm>>
        tpu.enqueue_dma source(%dma_start3A_103 : memref<128xi32, #tpu.memory_space<hbm>>) target(%arg8 : memref<128xi32, #tpu.memory_space<vmem>>) target_semaphore(%run_scoped3A : memref<!tpu.dma_semaphore, #tpu.memory_space<semaphore_mem>>)
        %dma_wait3A_104 = tpu.memref_slice %arg4[%add3A_84] : memref<327680xi32, #tpu.memory_space<hbm>> -> memref<128xi32, #tpu.memory_space<hbm>>
        %dma_wait3A_105 = tpu.memref_slice %arg4[%add3A_84] : memref<327680xi32, #tpu.memory_space<hbm>> -> memref<128xi32, #tpu.memory_space<hbm>>
        tpu.wait_dma2 semaphore(%run_scoped3A : memref<!tpu.dma_semaphore, #tpu.memory_space<semaphore_mem>>) src(%dma_wait3A_105 : memref<128xi32, #tpu.memory_space<hbm>>) dst(%arg8 : memref<128xi32, #tpu.memory_space<vmem>>)
        tpu.yield
      }) : () -> ()
      %dma_start3A_85 = arith.constant 0 : i32
      %dma_start3A_86 = arith.constant 0 : i32
      %dma_start3A_87 = tpu.memref_slice %arg12[%dma_start3A_85, %dma_start3A_86] : memref<10240x128xf32, #tpu.memory_space<vmem_shared>> -> memref<10240x128xf32, #tpu.memory_space<vmem_shared>>
      tpu.enqueue_indirect_dma source(%arg10 : memref<128x128xf32, #tpu.memory_space<vmem>>) target(%dma_start3A_87 : memref<10240x128xf32, #tpu.memory_space<vmem_shared>>) offsets(%arg8 : memref<128xi32, #tpu.memory_space<vmem>>) semaphore(%arg15 : memref<!tpu.dma_semaphore, #tpu.memory_space<semaphore_mem>>) {add = true}
      %dma_wait3A_88 = tpu.memref_slice %arg7[%mul3A_71] : memref<10240xi32, #tpu.memory_space<vmem>> -> memref<128xi32, #tpu.memory_space<vmem>>
      %dma_wait3A_89 = arith.constant 0 : i32
      %dma_wait3A_90 = arith.constant 0 : i32
      %dma_wait3A_91 = tpu.memref_slice %arg2[%dma_wait3A_89, %dma_wait3A_90] : memref<10240x128xf32, #tpu.memory_space<hbm>> -> memref<10240x128xf32, #tpu.memory_space<hbm>>
      tpu.wait_indirect_dma semaphore(%arg14 : memref<!tpu.dma_semaphore, #tpu.memory_space<semaphore_mem>>) src(%dma_wait3A_91 : memref<10240x128xf32, #tpu.memory_space<hbm>>) dst(%arg11 : memref<128x128xf32, #tpu.memory_space<vmem>>)
      %mul3A_92 = arith.constant 2 : i32
      %mul3A_93 = arith.muli %mul3A_92, %add3A_51 : i32
      %add3A_94 = arith.constant 1 : i32
      %add3A_95 = arith.addi %mul3A_93, %add3A_94 : i32
      %mul3A_96 = arith.constant 128 : i32
      %mul3A_97 = arith.muli %add3A_95, %mul3A_96 : i32
      %add3A_98 = arith.addi %mul3A_2, %mul3A_97 : i32
      "tpu.region"() ({
        %run_scoped3A = tpu.sem_alloc : memref<!tpu.dma_semaphore, #tpu.memory_space<semaphore_mem>>
        %dma_start3A_102 = tpu.memref_slice %arg4[%add3A_98] : memref<327680xi32, #tpu.memory_space<hbm>> -> memref<128xi32, #tpu.memory_space<hbm>>
        %dma_start3A_103 = tpu.memref_slice %arg4[%add3A_98] : memref<327680xi32, #tpu.memory_space<hbm>> -> memref<128xi32, #tpu.memory_space<hbm>>
        tpu.enqueue_dma source(%dma_start3A_103 : memref<128xi32, #tpu.memory_space<hbm>>) target(%arg9 : memref<128xi32, #tpu.memory_space<vmem>>) target_semaphore(%run_scoped3A : memref<!tpu.dma_semaphore, #tpu.memory_space<semaphore_mem>>)
        %dma_wait3A_104 = tpu.memref_slice %arg4[%add3A_98] : memref<327680xi32, #tpu.memory_space<hbm>> -> memref<128xi32, #tpu.memory_space<hbm>>
        %dma_wait3A_105 = tpu.memref_slice %arg4[%add3A_98] : memref<327680xi32, #tpu.memory_space<hbm>> -> memref<128xi32, #tpu.memory_space<hbm>>
        tpu.wait_dma2 semaphore(%run_scoped3A : memref<!tpu.dma_semaphore, #tpu.memory_space<semaphore_mem>>) src(%dma_wait3A_105 : memref<128xi32, #tpu.memory_space<hbm>>) dst(%arg9 : memref<128xi32, #tpu.memory_space<vmem>>)
        tpu.yield
      }) : () -> ()
      %dma_start3A_99 = arith.constant 0 : i32
      %dma_start3A_100 = arith.constant 0 : i32
      %dma_start3A_101 = tpu.memref_slice %arg12[%dma_start3A_99, %dma_start3A_100] : memref<10240x128xf32, #tpu.memory_space<vmem_shared>> -> memref<10240x128xf32, #tpu.memory_space<vmem_shared>>
      tpu.enqueue_indirect_dma source(%arg11 : memref<128x128xf32, #tpu.memory_space<vmem>>) target(%dma_start3A_101 : memref<10240x128xf32, #tpu.memory_space<vmem_shared>>) offsets(%arg9 : memref<128xi32, #tpu.memory_space<vmem>>) semaphore(%arg16 : memref<!tpu.dma_semaphore, #tpu.memory_space<semaphore_mem>>) {add = true}
    }
    %scan3A_36 = arith.constant 39 : i32
    %dma_wait3A_37 = arith.constant 0 : i32
    %dma_wait3A_38 = arith.constant 0 : i32
    %dma_wait3A_39 = tpu.memref_slice %arg12[%dma_wait3A_37, %dma_wait3A_38] : memref<10240x128xf32, #tpu.memory_space<vmem_shared>> -> memref<10240x128xf32, #tpu.memory_space<vmem_shared>>
    tpu.wait_indirect_dma semaphore(%arg15 : memref<!tpu.dma_semaphore, #tpu.memory_space<semaphore_mem>>) src(%arg10 : memref<128x128xf32, #tpu.memory_space<vmem>>) dst(%dma_wait3A_39 : memref<10240x128xf32, #tpu.memory_space<vmem_shared>>)
    %dma_wait3A_40 = arith.constant 0 : i32
    %dma_wait3A_41 = arith.constant 0 : i32
    %dma_wait3A_42 = tpu.memref_slice %arg12[%dma_wait3A_40, %dma_wait3A_41] : memref<10240x128xf32, #tpu.memory_space<vmem_shared>> -> memref<10240x128xf32, #tpu.memory_space<vmem_shared>>
    tpu.wait_indirect_dma semaphore(%arg16 : memref<!tpu.dma_semaphore, #tpu.memory_space<semaphore_mem>>) src(%arg11 : memref<128x128xf32, #tpu.memory_space<vmem>>) dst(%dma_wait3A_42 : memref<10240x128xf32, #tpu.memory_space<vmem_shared>>)
    %barrier3A_43 = arith.constant 0 : index
    tpu.barrier barrier_id(%barrier3A_43)
    %mul3A_44 = arith.constant 10240 : i32
    %mul3A_45 = arith.muli %arg0, %mul3A_44 : i32
    %add3A_46 = arith.addi %mul3A_45, %mul3A_4 : i32
    "tpu.region"() ({
      %run_scoped3A = tpu.sem_alloc : memref<!tpu.dma_semaphore, #tpu.memory_space<semaphore_mem>>
      %dma_start3A_47 = arith.constant 0 : i32
      %dma_start3A_48 = tpu.memref_slice %arg6[%add3A_46, %dma_start3A_47] : memref<20480x128xf32, #tpu.memory_space<hbm>> -> memref<640x128xf32, #tpu.memory_space<hbm>>
      %dma_start3A_49 = arith.constant 0 : i32
      %dma_start3A_50 = tpu.memref_slice %arg12[%mul3A_4, %dma_start3A_49] : memref<10240x128xf32, #tpu.memory_space<vmem_shared>> -> memref<640x128xf32, #tpu.memory_space<vmem_shared>>
      tpu.enqueue_dma source(%dma_start3A_50 : memref<640x128xf32, #tpu.memory_space<vmem_shared>>) target(%dma_start3A_48 : memref<640x128xf32, #tpu.memory_space<hbm>>) target_semaphore(%run_scoped3A : memref<!tpu.dma_semaphore, #tpu.memory_space<semaphore_mem>>)
      %dma_wait3A_51 = arith.constant 0 : i32
      %dma_wait3A_52 = tpu.memref_slice %arg6[%add3A_46, %dma_wait3A_51] : memref<20480x128xf32, #tpu.memory_space<hbm>> -> memref<640x128xf32, #tpu.memory_space<hbm>>
      %dma_wait3A_53 = arith.constant 0 : i32
      %dma_wait3A_54 = tpu.memref_slice %arg12[%mul3A_4, %dma_wait3A_53] : memref<10240x128xf32, #tpu.memory_space<vmem_shared>> -> memref<640x128xf32, #tpu.memory_space<vmem_shared>>
      tpu.wait_dma2 semaphore(%run_scoped3A : memref<!tpu.dma_semaphore, #tpu.memory_space<semaphore_mem>>) src(%dma_wait3A_54 : memref<640x128xf32, #tpu.memory_space<vmem_shared>>) dst(%dma_wait3A_52 : memref<640x128xf32, #tpu.memory_space<hbm>>)
      tpu.yield
    }) : () -> ()
    return
  }
}

#map = affine_map<(d0, d1) -> (0, 0)>
#map1 = affine_map<(d0, d1) -> (0)>
module attributes {stable_mosaic.version = 14 : i64} {
  func.func @k(%arg0: i32, %arg1: i32, %arg2: memref<10240x128xf32, #tpu.memory_space<hbm>>, %arg3: memref<327680xi32, #tpu.memory_space<hbm>>, %arg4: memref<327680xi32, #tpu.memory_space<hbm>>, %arg5: memref<640x128xf32, #tpu.memory_space<hbm>>, %arg6: memref<20480x128xf32, #tpu.memory_space<hbm>>, %arg7: memref<10240xi32, #tpu.memory_space<vmem>>, %arg8: memref<128xi32, #tpu.memory_space<vmem>>, %arg9: memref<128xi32, #tpu.memory_space<vmem>>, %arg10: memref<128x128xf32, #tpu.memory_space<vmem>>, %arg11: memref<128x128xf32, #tpu.memory_space<vmem>>, %arg12: memref<10240x128xf32, #tpu.memory_space<vmem_shared>>, %arg13: memref<!tpu.dma_semaphore, #tpu.memory_space<semaphore_mem>>, %arg14: memref<!tpu.dma_semaphore, #tpu.memory_space<semaphore_mem>>, %arg15: memref<!tpu.dma_semaphore, #tpu.memory_space<semaphore_mem>>, %arg16: memref<!tpu.dma_semaphore, #tpu.memory_space<semaphore_mem>>) attributes {dimension_semantics = [#tpu.dimension_semantics<core_parallel>, #tpu.dimension_semantics<subcore_parallel>], iteration_bounds = array<i64: 2, 16>, scalar_prefetch = 0 : i64, scratch_operands = 10 : i64, tpu.core_type = #tpu.core_type<sc_vector_subcore>, window_params = [{transform_indices = #map}, {transform_indices = #map1}, {transform_indices = #map1}, {transform_indices = #map}, {transform_indices = #map}]} {
    %mul3A = arith.constant 16 : i32
    %mul3A_0 = arith.muli %arg0, %mul3A : i32
    %add3A = arith.addi %mul3A_0, %arg1 : i32
    %mul3A_1 = arith.constant 10240 : i32
    %mul3A_2 = arith.muli %add3A, %mul3A_1 : i32
    %mul3A_3 = arith.constant 640 : i32
    %mul3A_4 = arith.muli %arg1, %mul3A_3 : i32
    "tpu.region"() ({
      %run_scoped3A = tpu.sem_alloc : memref<!tpu.dma_semaphore, #tpu.memory_space<semaphore_mem>>
      %dma_start3A_47 = tpu.memref_slice %arg3[%mul3A_2] : memref<327680xi32, #tpu.memory_space<hbm>> -> memref<10240xi32, #tpu.memory_space<hbm>>
      %dma_start3A_48 = tpu.memref_slice %arg3[%mul3A_2] : memref<327680xi32, #tpu.memory_space<hbm>> -> memref<10240xi32, #tpu.memory_space<hbm>>
      tpu.enqueue_dma source(%dma_start3A_48 : memref<10240xi32, #tpu.memory_space<hbm>>) target(%arg7 : memref<10240xi32, #tpu.memory_space<vmem>>) target_semaphore(%run_scoped3A : memref<!tpu.dma_semaphore, #tpu.memory_space<semaphore_mem>>)
      %dma_wait3A_49 = tpu.memref_slice %arg3[%mul3A_2] : memref<327680xi32, #tpu.memory_space<hbm>> -> memref<10240xi32, #tpu.memory_space<hbm>>
      %dma_wait3A_50 = tpu.memref_slice %arg3[%mul3A_2] : memref<327680xi32, #tpu.memory_space<hbm>> -> memref<10240xi32, #tpu.memory_space<hbm>>
      tpu.wait_dma2 semaphore(%run_scoped3A : memref<!tpu.dma_semaphore, #tpu.memory_space<semaphore_mem>>) src(%dma_wait3A_50 : memref<10240xi32, #tpu.memory_space<hbm>>) dst(%arg7 : memref<10240xi32, #tpu.memory_space<vmem>>)
      tpu.yield
    }) : () -> ()
    "tpu.region"() ({
      %run_scoped3A = tpu.sem_alloc : memref<!tpu.dma_semaphore, #tpu.memory_space<semaphore_mem>>
      %dma_start3A_47 = arith.constant 0 : i32
      %dma_start3A_48 = tpu.memref_slice %arg12[%mul3A_4, %dma_start3A_47] : memref<10240x128xf32, #tpu.memory_space<vmem_shared>> -> memref<640x128xf32, #tpu.memory_space<vmem_shared>>
      tpu.enqueue_dma source(%arg5 : memref<640x128xf32, #tpu.memory_space<hbm>>) target(%dma_start3A_48 : memref<640x128xf32, #tpu.memory_space<vmem_shared>>) target_semaphore(%run_scoped3A : memref<!tpu.dma_semaphore, #tpu.memory_space<semaphore_mem>>)
      %dma_wait3A_49 = arith.constant 0 : i32
      %dma_wait3A_50 = tpu.memref_slice %arg12[%mul3A_4, %dma_wait3A_49] : memref<10240x128xf32, #tpu.memory_space<vmem_shared>> -> memref<640x128xf32, #tpu.memory_space<vmem_shared>>
      tpu.wait_dma2 semaphore(%run_scoped3A : memref<!tpu.dma_semaphore, #tpu.memory_space<semaphore_mem>>) src(%arg5 : memref<640x128xf32, #tpu.memory_space<hbm>>) dst(%dma_wait3A_50 : memref<640x128xf32, #tpu.memory_space<vmem_shared>>)
      tpu.yield
    }) : () -> ()
    %barrier3A = arith.constant 0 : index
    tpu.barrier barrier_id(%barrier3A)
    %dma_start3A = arith.constant 0 : i32
    %dma_start3A_5 = tpu.memref_slice %arg7[%dma_start3A] : memref<10240xi32, #tpu.memory_space<vmem>> -> memref<128xi32, #tpu.memory_space<vmem>>
    %dma_start3A_6 = arith.constant 0 : i32
    %dma_start3A_7 = arith.constant 0 : i32
    %dma_start3A_8 = tpu.memref_slice %arg2[%dma_start3A_6, %dma_start3A_7] : memref<10240x128xf32, #tpu.memory_space<hbm>> -> memref<10240x128xf32, #tpu.memory_space<hbm>>
    tpu.enqueue_indirect_dma source(%dma_start3A_8 : memref<10240x128xf32, #tpu.memory_space<hbm>>) target(%arg10 : memref<128x128xf32, #tpu.memory_space<vmem>>) offsets(%dma_start3A_5 : memref<128xi32, #tpu.memory_space<vmem>>) semaphore(%arg13 : memref<!tpu.dma_semaphore, #tpu.memory_space<semaphore_mem>>)
    %dma_start3A_9 = arith.constant 128 : i32
    %dma_start3A_10 = tpu.memref_slice %arg7[%dma_start3A_9] : memref<10240xi32, #tpu.memory_space<vmem>> -> memref<128xi32, #tpu.memory_space<vmem>>
    %dma_start3A_11 = arith.constant 0 : i32
    %dma_start3A_12 = arith.constant 0 : i32
    %dma_start3A_13 = tpu.memref_slice %arg2[%dma_start3A_11, %dma_start3A_12] : memref<10240x128xf32, #tpu.memory_space<hbm>> -> memref<10240x128xf32, #tpu.memory_space<hbm>>
    tpu.enqueue_indirect_dma source(%dma_start3A_13 : memref<10240x128xf32, #tpu.memory_space<hbm>>) target(%arg11 : memref<128x128xf32, #tpu.memory_space<vmem>>) offsets(%dma_start3A_10 : memref<128xi32, #tpu.memory_space<vmem>>) semaphore(%arg14 : memref<!tpu.dma_semaphore, #tpu.memory_space<semaphore_mem>>)
    %dma_wait3A = arith.constant 0 : i32
    %dma_wait3A_14 = tpu.memref_slice %arg7[%dma_wait3A] : memref<10240xi32, #tpu.memory_space<vmem>> -> memref<128xi32, #tpu.memory_space<vmem>>
    %dma_wait3A_15 = arith.constant 0 : i32
    %dma_wait3A_16 = arith.constant 0 : i32
    %dma_wait3A_17 = tpu.memref_slice %arg2[%dma_wait3A_15, %dma_wait3A_16] : memref<10240x128xf32, #tpu.memory_space<hbm>> -> memref<10240x128xf32, #tpu.memory_space<hbm>>
    tpu.wait_indirect_dma semaphore(%arg13 : memref<!tpu.dma_semaphore, #tpu.memory_space<semaphore_mem>>) src(%dma_wait3A_17 : memref<10240x128xf32, #tpu.memory_space<hbm>>) dst(%arg10 : memref<128x128xf32, #tpu.memory_space<vmem>>)
    %add3A_18 = arith.constant 0 : i32
    %add3A_19 = arith.addi %mul3A_2, %add3A_18 : i32
    "tpu.region"() ({
      %run_scoped3A = tpu.sem_alloc : memref<!tpu.dma_semaphore, #tpu.memory_space<semaphore_mem>>
      %dma_start3A_47 = tpu.memref_slice %arg4[%add3A_19] : memref<327680xi32, #tpu.memory_space<hbm>> -> memref<128xi32, #tpu.memory_space<hbm>>
      %dma_start3A_48 = tpu.memref_slice %arg4[%add3A_19] : memref<327680xi32, #tpu.memory_space<hbm>> -> memref<128xi32, #tpu.memory_space<hbm>>
      tpu.enqueue_dma source(%dma_start3A_48 : memref<128xi32, #tpu.memory_space<hbm>>) target(%arg8 : memref<128xi32, #tpu.memory_space<vmem>>) target_semaphore(%run_scoped3A : memref<!tpu.dma_semaphore, #tpu.memory_space<semaphore_mem>>)
      %dma_wait3A_49 = tpu.memref_slice %arg4[%add3A_19] : memref<327680xi32, #tpu.memory_space<hbm>> -> memref<128xi32, #tpu.memory_space<hbm>>
      %dma_wait3A_50 = tpu.memref_slice %arg4[%add3A_19] : memref<327680xi32, #tpu.memory_space<hbm>> -> memref<128xi32, #tpu.memory_space<hbm>>
      tpu.wait_dma2 semaphore(%run_scoped3A : memref<!tpu.dma_semaphore, #tpu.memory_space<semaphore_mem>>) src(%dma_wait3A_50 : memref<128xi32, #tpu.memory_space<hbm>>) dst(%arg8 : memref<128xi32, #tpu.memory_space<vmem>>)
      tpu.yield
    }) : () -> ()
    %dma_start3A_20 = arith.constant 0 : i32
    %dma_start3A_21 = arith.constant 0 : i32
    %dma_start3A_22 = tpu.memref_slice %arg12[%dma_start3A_20, %dma_start3A_21] : memref<10240x128xf32, #tpu.memory_space<vmem_shared>> -> memref<10240x128xf32, #tpu.memory_space<vmem_shared>>
    tpu.enqueue_indirect_dma source(%arg10 : memref<128x128xf32, #tpu.memory_space<vmem>>) target(%dma_start3A_22 : memref<10240x128xf32, #tpu.memory_space<vmem_shared>>) offsets(%arg8 : memref<128xi32, #tpu.memory_space<vmem>>) semaphore(%arg15 : memref<!tpu.dma_semaphore, #tpu.memory_space<semaphore_mem>>) {add = true}
    %dma_wait3A_23 = arith.constant 128 : i32
    %dma_wait3A_24 = tpu.memref_slice %arg7[%dma_wait3A_23] : memref<10240xi32, #tpu.memory_space<vmem>> -> memref<128xi32, #tpu.memory_space<vmem>>
    %dma_wait3A_25 = arith.constant 0 : i32
    %dma_wait3A_26 = arith.constant 0 : i32
    %dma_wait3A_27 = tpu.memref_slice %arg2[%dma_wait3A_25, %dma_wait3A_26] : memref<10240x128xf32, #tpu.memory_space<hbm>> -> memref<10240x128xf32, #tpu.memory_space<hbm>>
    tpu.wait_indirect_dma semaphore(%arg14 : memref<!tpu.dma_semaphore, #tpu.memory_space<semaphore_mem>>) src(%dma_wait3A_27 : memref<10240x128xf32, #tpu.memory_space<hbm>>) dst(%arg11 : memref<128x128xf32, #tpu.memory_space<vmem>>)
    %add3A_28 = arith.constant 128 : i32
    %add3A_29 = arith.addi %mul3A_2, %add3A_28 : i32
    "tpu.region"() ({
      %run_scoped3A = tpu.sem_alloc : memref<!tpu.dma_semaphore, #tpu.memory_space<semaphore_mem>>
      %dma_start3A_47 = tpu.memref_slice %arg4[%add3A_29] : memref<327680xi32, #tpu.memory_space<hbm>> -> memref<128xi32, #tpu.memory_space<hbm>>
      %dma_start3A_48 = tpu.memref_slice %arg4[%add3A_29] : memref<327680xi32, #tpu.memory_space<hbm>> -> memref<128xi32, #tpu.memory_space<hbm>>
      tpu.enqueue_dma source(%dma_start3A_48 : memref<128xi32, #tpu.memory_space<hbm>>) target(%arg9 : memref<128xi32, #tpu.memory_space<vmem>>) target_semaphore(%run_scoped3A : memref<!tpu.dma_semaphore, #tpu.memory_space<semaphore_mem>>)
      %dma_wait3A_49 = tpu.memref_slice %arg4[%add3A_29] : memref<327680xi32, #tpu.memory_space<hbm>> -> memref<128xi32, #tpu.memory_space<hbm>>
      %dma_wait3A_50 = tpu.memref_slice %arg4[%add3A_29] : memref<327680xi32, #tpu.memory_space<hbm>> -> memref<128xi32, #tpu.memory_space<hbm>>
      tpu.wait_dma2 semaphore(%run_scoped3A : memref<!tpu.dma_semaphore, #tpu.memory_space<semaphore_mem>>) src(%dma_wait3A_50 : memref<128xi32, #tpu.memory_space<hbm>>) dst(%arg9 : memref<128xi32, #tpu.memory_space<vmem>>)
      tpu.yield
    }) : () -> ()
    %dma_start3A_30 = arith.constant 0 : i32
    %dma_start3A_31 = arith.constant 0 : i32
    %dma_start3A_32 = tpu.memref_slice %arg12[%dma_start3A_30, %dma_start3A_31] : memref<10240x128xf32, #tpu.memory_space<vmem_shared>> -> memref<10240x128xf32, #tpu.memory_space<vmem_shared>>
    tpu.enqueue_indirect_dma source(%arg11 : memref<128x128xf32, #tpu.memory_space<vmem>>) target(%dma_start3A_32 : memref<10240x128xf32, #tpu.memory_space<vmem_shared>>) offsets(%arg9 : memref<128xi32, #tpu.memory_space<vmem>>) semaphore(%arg16 : memref<!tpu.dma_semaphore, #tpu.memory_space<semaphore_mem>>) {add = true}
    %scan3A = arith.constant 0 : i32
    %scan3A_33 = arith.constant 39 : i32
    %scan3A_34 = arith.addi %scan3A, %scan3A_33 : i32
    %scan3A_35 = arith.constant 1 : i32
    scf.for %scan3A_47 = %scan3A to %scan3A_34 step %scan3A_35  : i32 {
      %mul3A_48 = arith.constant 1 : i32
      %mul3A_49 = arith.muli %scan3A_47, %mul3A_48 : i32
      %add3A_50 = arith.constant 1 : i32
      %add3A_51 = arith.addi %add3A_50, %mul3A_49 : i32
      %dma_wait3A_52 = arith.constant 0 : i32
      %dma_wait3A_53 = arith.constant 0 : i32
      %dma_wait3A_54 = tpu.memref_slice %arg12[%dma_wait3A_52, %dma_wait3A_53] : memref<10240x128xf32, #tpu.memory_space<vmem_shared>> -> memref<10240x128xf32, #tpu.memory_space<vmem_shared>>
      tpu.wait_indirect_dma semaphore(%arg15 : memref<!tpu.dma_semaphore, #tpu.memory_space<semaphore_mem>>) src(%arg10 : memref<128x128xf32, #tpu.memory_space<vmem>>) dst(%dma_wait3A_54 : memref<10240x128xf32, #tpu.memory_space<vmem_shared>>)
      %mul3A_55 = arith.constant 2 : i32
      %mul3A_56 = arith.muli %mul3A_55, %add3A_51 : i32
      %mul3A_57 = arith.constant 128 : i32
      %mul3A_58 = arith.muli %mul3A_56, %mul3A_57 : i32
      %dma_start3A_59 = tpu.memref_slice %arg7[%mul3A_58] : memref<10240xi32, #tpu.memory_space<vmem>> -> memref<128xi32, #tpu.memory_space<vmem>>
      %dma_start3A_60 = arith.constant 0 : i32
      %dma_start3A_61 = arith.constant 0 : i32
      %dma_start3A_62 = tpu.memref_slice %arg2[%dma_start3A_60, %dma_start3A_61] : memref<10240x128xf32, #tpu.memory_space<hbm>> -> memref<10240x128xf32, #tpu.memory_space<hbm>>
      tpu.enqueue_indirect_dma source(%dma_start3A_62 : memref<10240x128xf32, #tpu.memory_space<hbm>>) target(%arg10 : memref<128x128xf32, #tpu.memory_space<vmem>>) offsets(%dma_start3A_59 : memref<128xi32, #tpu.memory_space<vmem>>) semaphore(%arg13 : memref<!tpu.dma_semaphore, #tpu.memory_space<semaphore_mem>>)
      %dma_wait3A_63 = arith.constant 0 : i32
      %dma_wait3A_64 = arith.constant 0 : i32
      %dma_wait3A_65 = tpu.memref_slice %arg12[%dma_wait3A_63, %dma_wait3A_64] : memref<10240x128xf32, #tpu.memory_space<vmem_shared>> -> memref<10240x128xf32, #tpu.memory_space<vmem_shared>>
      tpu.wait_indirect_dma semaphore(%arg16 : memref<!tpu.dma_semaphore, #tpu.memory_space<semaphore_mem>>) src(%arg11 : memref<128x128xf32, #tpu.memory_space<vmem>>) dst(%dma_wait3A_65 : memref<10240x128xf32, #tpu.memory_space<vmem_shared>>)
      %mul3A_66 = arith.constant 2 : i32
      %mul3A_67 = arith.muli %mul3A_66, %add3A_51 : i32
      %add3A_68 = arith.constant 1 : i32
      %add3A_69 = arith.addi %mul3A_67, %add3A_68 : i32
      %mul3A_70 = arith.constant 128 : i32
      %mul3A_71 = arith.muli %add3A_69, %mul3A_70 : i32
      %dma_start3A_72 = tpu.memref_slice %arg7[%mul3A_71] : memref<10240xi32, #tpu.memory_space<vmem>> -> memref<128xi32, #tpu.memory_space<vmem>>
      %dma_start3A_73 = arith.constant 0 : i32
      %dma_start3A_74 = arith.constant 0 : i32
      %dma_start3A_75 = tpu.memref_slice %arg2[%dma_start3A_73, %dma_start3A_74] : memref<10240x128xf32, #tpu.memory_space<hbm>> -> memref<10240x128xf32, #tpu.memory_space<hbm>>
      tpu.enqueue_indirect_dma source(%dma_start3A_75 : memref<10240x128xf32, #tpu.memory_space<hbm>>) target(%arg11 : memref<128x128xf32, #tpu.memory_space<vmem>>) offsets(%dma_start3A_72 : memref<128xi32, #tpu.memory_space<vmem>>) semaphore(%arg14 : memref<!tpu.dma_semaphore, #tpu.memory_space<semaphore_mem>>)
      %dma_wait3A_76 = tpu.memref_slice %arg7[%mul3A_58] : memref<10240xi32, #tpu.memory_space<vmem>> -> memref<128xi32, #tpu.memory_space<vmem>>
      %dma_wait3A_77 = arith.constant 0 : i32
      %dma_wait3A_78 = arith.constant 0 : i32
      %dma_wait3A_79 = tpu.memref_slice %arg2[%dma_wait3A_77, %dma_wait3A_78] : memref<10240x128xf32, #tpu.memory_space<hbm>> -> memref<10240x128xf32, #tpu.memory_space<hbm>>
      tpu.wait_indirect_dma semaphore(%arg13 : memref<!tpu.dma_semaphore, #tpu.memory_space<semaphore_mem>>) src(%dma_wait3A_79 : memref<10240x128xf32, #tpu.memory_space<hbm>>) dst(%arg10 : memref<128x128xf32, #tpu.memory_space<vmem>>)
      %mul3A_80 = arith.constant 2 : i32
      %mul3A_81 = arith.muli %mul3A_80, %add3A_51 : i32
      %mul3A_82 = arith.constant 128 : i32
      %mul3A_83 = arith.muli %mul3A_81, %mul3A_82 : i32
      %add3A_84 = arith.addi %mul3A_2, %mul3A_83 : i32
      "tpu.region"() ({
        %run_scoped3A = tpu.sem_alloc : memref<!tpu.dma_semaphore, #tpu.memory_space<semaphore_mem>>
        %dma_start3A_102 = tpu.memref_slice %arg4[%add3A_84] : memref<327680xi32, #tpu.memory_space<hbm>> -> memref<128xi32, #tpu.memory_space<hbm>>
        %dma_start3A_103 = tpu.memref_slice %arg4[%add3A_84] : memref<327680xi32, #tpu.memory_space<hbm>> -> memref<128xi32, #tpu.memory_space<hbm>>
        tpu.enqueue_dma source(%dma_start3A_103 : memref<128xi32, #tpu.memory_space<hbm>>) target(%arg8 : memref<128xi32, #tpu.memory_space<vmem>>) target_semaphore(%run_scoped3A : memref<!tpu.dma_semaphore, #tpu.memory_space<semaphore_mem>>)
        %dma_wait3A_104 = tpu.memref_slice %arg4[%add3A_84] : memref<327680xi32, #tpu.memory_space<hbm>> -> memref<128xi32, #tpu.memory_space<hbm>>
        %dma_wait3A_105 = tpu.memref_slice %arg4[%add3A_84] : memref<327680xi32, #tpu.memory_space<hbm>> -> memref<128xi32, #tpu.memory_space<hbm>>
        tpu.wait_dma2 semaphore(%run_scoped3A : memref<!tpu.dma_semaphore, #tpu.memory_space<semaphore_mem>>) src(%dma_wait3A_105 : memref<128xi32, #tpu.memory_space<hbm>>) dst(%arg8 : memref<128xi32, #tpu.memory_space<vmem>>)
        tpu.yield
      }) : () -> ()
      %dma_start3A_85 = arith.constant 0 : i32
      %dma_start3A_86 = arith.constant 0 : i32
      %dma_start3A_87 = tpu.memref_slice %arg12[%dma_start3A_85, %dma_start3A_86] : memref<10240x128xf32, #tpu.memory_space<vmem_shared>> -> memref<10240x128xf32, #tpu.memory_space<vmem_shared>>
      tpu.enqueue_indirect_dma source(%arg10 : memref<128x128xf32, #tpu.memory_space<vmem>>) target(%dma_start3A_87 : memref<10240x128xf32, #tpu.memory_space<vmem_shared>>) offsets(%arg8 : memref<128xi32, #tpu.memory_space<vmem>>) semaphore(%arg15 : memref<!tpu.dma_semaphore, #tpu.memory_space<semaphore_mem>>) {add = true}
      %dma_wait3A_88 = tpu.memref_slice %arg7[%mul3A_71] : memref<10240xi32, #tpu.memory_space<vmem>> -> memref<128xi32, #tpu.memory_space<vmem>>
      %dma_wait3A_89 = arith.constant 0 : i32
      %dma_wait3A_90 = arith.constant 0 : i32
      %dma_wait3A_91 = tpu.memref_slice %arg2[%dma_wait3A_89, %dma_wait3A_90] : memref<10240x128xf32, #tpu.memory_space<hbm>> -> memref<10240x128xf32, #tpu.memory_space<hbm>>
      tpu.wait_indirect_dma semaphore(%arg14 : memref<!tpu.dma_semaphore, #tpu.memory_space<semaphore_mem>>) src(%dma_wait3A_91 : memref<10240x128xf32, #tpu.memory_space<hbm>>) dst(%arg11 : memref<128x128xf32, #tpu.memory_space<vmem>>)
      %mul3A_92 = arith.constant 2 : i32
      %mul3A_93 = arith.muli %mul3A_92, %add3A_51 : i32
      %add3A_94 = arith.constant 1 : i32
      %add3A_95 = arith.addi %mul3A_93, %add3A_94 : i32
      %mul3A_96 = arith.constant 128 : i32
      %mul3A_97 = arith.muli %add3A_95, %mul3A_96 : i32
      %add3A_98 = arith.addi %mul3A_2, %mul3A_97 : i32
      "tpu.region"() ({
        %run_scoped3A = tpu.sem_alloc : memref<!tpu.dma_semaphore, #tpu.memory_space<semaphore_mem>>
        %dma_start3A_102 = tpu.memref_slice %arg4[%add3A_98] : memref<327680xi32, #tpu.memory_space<hbm>> -> memref<128xi32, #tpu.memory_space<hbm>>
        %dma_start3A_103 = tpu.memref_slice %arg4[%add3A_98] : memref<327680xi32, #tpu.memory_space<hbm>> -> memref<128xi32, #tpu.memory_space<hbm>>
        tpu.enqueue_dma source(%dma_start3A_103 : memref<128xi32, #tpu.memory_space<hbm>>) target(%arg9 : memref<128xi32, #tpu.memory_space<vmem>>) target_semaphore(%run_scoped3A : memref<!tpu.dma_semaphore, #tpu.memory_space<semaphore_mem>>)
        %dma_wait3A_104 = tpu.memref_slice %arg4[%add3A_98] : memref<327680xi32, #tpu.memory_space<hbm>> -> memref<128xi32, #tpu.memory_space<hbm>>
        %dma_wait3A_105 = tpu.memref_slice %arg4[%add3A_98] : memref<327680xi32, #tpu.memory_space<hbm>> -> memref<128xi32, #tpu.memory_space<hbm>>
        tpu.wait_dma2 semaphore(%run_scoped3A : memref<!tpu.dma_semaphore, #tpu.memory_space<semaphore_mem>>) src(%dma_wait3A_105 : memref<128xi32, #tpu.memory_space<hbm>>) dst(%arg9 : memref<128xi32, #tpu.memory_space<vmem>>)
        tpu.yield
      }) : () -> ()
      %dma_start3A_99 = arith.constant 0 : i32
      %dma_start3A_100 = arith.constant 0 : i32
      %dma_start3A_101 = tpu.memref_slice %arg12[%dma_start3A_99, %dma_start3A_100] : memref<10240x128xf32, #tpu.memory_space<vmem_shared>> -> memref<10240x128xf32, #tpu.memory_space<vmem_shared>>
      tpu.enqueue_indirect_dma source(%arg11 : memref<128x128xf32, #tpu.memory_space<vmem>>) target(%dma_start3A_101 : memref<10240x128xf32, #tpu.memory_space<vmem_shared>>) offsets(%arg9 : memref<128xi32, #tpu.memory_space<vmem>>) semaphore(%arg16 : memref<!tpu.dma_semaphore, #tpu.memory_space<semaphore_mem>>) {add = true}
    }
    %scan3A_36 = arith.constant 39 : i32
    %dma_wait3A_37 = arith.constant 0 : i32
    %dma_wait3A_38 = arith.constant 0 : i32
    %dma_wait3A_39 = tpu.memref_slice %arg12[%dma_wait3A_37, %dma_wait3A_38] : memref<10240x128xf32, #tpu.memory_space<vmem_shared>> -> memref<10240x128xf32, #tpu.memory_space<vmem_shared>>
    tpu.wait_indirect_dma semaphore(%arg15 : memref<!tpu.dma_semaphore, #tpu.memory_space<semaphore_mem>>) src(%arg10 : memref<128x128xf32, #tpu.memory_space<vmem>>) dst(%dma_wait3A_39 : memref<10240x128xf32, #tpu.memory_space<vmem_shared>>)
    %dma_wait3A_40 = arith.constant 0 : i32
    %dma_wait3A_41 = arith.constant 0 : i32
    %dma_wait3A_42 = tpu.memref_slice %arg12[%dma_wait3A_40, %dma_wait3A_41] : memref<10240x128xf32, #tpu.memory_space<vmem_shared>> -> memref<10240x128xf32, #tpu.memory_space<vmem_shared>>
    tpu.wait_indirect_dma semaphore(%arg16 : memref<!tpu.dma_semaphore, #tpu.memory_space<semaphore_mem>>) src(%arg11 : memref<128x128xf32, #tpu.memory_space<vmem>>) dst(%dma_wait3A_42 : memref<10240x128xf32, #tpu.memory_space<vmem_shared>>)
    %barrier3A_43 = arith.constant 0 : index
    tpu.barrier barrier_id(%barrier3A_43)
    %mul3A_44 = arith.constant 10240 : i32
    %mul3A_45 = arith.muli %arg0, %mul3A_44 : i32
    %add3A_46 = arith.addi %mul3A_45, %mul3A_4 : i32
    "tpu.region"() ({
      %run_scoped3A = tpu.sem_alloc : memref<!tpu.dma_semaphore, #tpu.memory_space<semaphore_mem>>
      %dma_start3A_47 = arith.constant 0 : i32
      %dma_start3A_48 = tpu.memref_slice %arg6[%add3A_46, %dma_start3A_47] : memref<20480x128xf32, #tpu.memory_space<hbm>> -> memref<640x128xf32, #tpu.memory_space<hbm>>
      %dma_start3A_49 = arith.constant 0 : i32
      %dma_start3A_50 = tpu.memref_slice %arg12[%mul3A_4, %dma_start3A_49] : memref<10240x128xf32, #tpu.memory_space<vmem_shared>> -> memref<640x128xf32, #tpu.memory_space<vmem_shared>>
      tpu.enqueue_dma source(%dma_start3A_50 : memref<640x128xf32, #tpu.memory_space<vmem_shared>>) target(%dma_start3A_48 : memref<640x128xf32, #tpu.memory_space<hbm>>) target_semaphore(%run_scoped3A : memref<!tpu.dma_semaphore, #tpu.memory_space<semaphore_mem>>)
      %dma_wait3A_51 = arith.constant 0 : i32
      %dma_wait3A_52 = tpu.memref_slice %arg6[%add3A_46, %dma_wait3A_51] : memref<20480x128xf32, #tpu.memory_space<hbm>> -> memref<640x128xf32, #tpu.memory_space<hbm>>
      %dma_wait3A_53 = arith.constant 0 : i32
      %dma_wait3A_54 = tpu.memref_slice %arg12[%mul3A_4, %dma_wait3A_53] : memref<10240x128xf32, #tpu.memory_space<vmem_shared>> -> memref<640x128xf32, #tpu.memory_space<vmem_shared>>
      tpu.wait_dma2 semaphore(%run_scoped3A : memref<!tpu.dma_semaphore, #tpu.memory_space<semaphore_mem>>) src(%dma_wait3A_54 : memref<640x128xf32, #tpu.memory_space<vmem_shared>>) dst(%dma_wait3A_52 : memref<640x128xf32, #tpu.memory_space<hbm>>)
      tpu.yield
    }) : () -> ()
    return
  }
}

module attributes {stable_mosaic.version = 14 : i64} {
  func.func @_head_body(%arg0: i32, %arg1: memref<256x128xf32, #tpu.memory_space<vmem>>, %arg2: memref<128x128xf32, #tpu.memory_space<vmem>>, %arg3: memref<1x128xf32, #tpu.memory_space<vmem>>, %arg4: memref<256x128xf32, #tpu.memory_space<vmem>>) attributes {dimension_semantics = [#tpu.dimension_semantics<arbitrary>], iteration_bounds = array<i64: 40>, scalar_prefetch = 0 : i64, scratch_operands = 0 : i64, tpu.core_type = #tpu.core_type<tc>, window_params = [{transform_indices = @transform_0, window_bounds = array<i64: 256, 128>}, {pipeline_mode = #tpu.pipeline_mode<synchronous>, transform_indices = @transform_1, window_bounds = array<i64: 128, 128>}, {pipeline_mode = #tpu.pipeline_mode<synchronous>, transform_indices = @transform_2, window_bounds = array<i64: 1, 128>}, {transform_indices = @transform_3, window_bounds = array<i64: 256, 128>}]} {
    %get3A = arith.constant 0 : index
    %get3A_0 = arith.constant 0 : index
    %get3A_1 = vector.load %arg1[%get3A, %get3A_0] : memref<256x128xf32, #tpu.memory_space<vmem>>, vector<256x128xf32>
    %mul3A = arith.mulf %get3A_1, %get3A_1 : vector<256x128xf32>
    %reduce_sum3A = arith.constant dense<0.000000e+00> : vector<256xf32>
    %reduce_sum3A_2 = vector.multi_reduction <add>, %mul3A, %reduce_sum3A [1] : vector<256x128xf32> to vector<256xf32>
    %broadcast_in_dim3A = vector.shape_cast %reduce_sum3A_2 : vector<256xf32> to vector<256x1xf32>
    %sqrt3A = math.sqrt %broadcast_in_dim3A : vector<256x1xf32>
    %jit3A = arith.constant 1.000000e-15 : f32
    %max3A = vector.broadcast %jit3A : f32 to vector<256x1xf32>
    %max3A_3 = arith.maximumf %max3A, %sqrt3A : vector<256x1xf32>
    %tanh3A = math.tanh %max3A_3 : vector<256x1xf32>
    %mul3A_4 = vector.broadcast %tanh3A : vector<256x1xf32> to vector<256x128xf32>
    %mul3A_5 = arith.mulf %mul3A_4, %get3A_1 : vector<256x128xf32>
    %div3A = vector.broadcast %max3A_3 : vector<256x1xf32> to vector<256x128xf32>
    %div3A_6 = arith.divf %mul3A_5, %div3A : vector<256x128xf32>
    %mul3A_7 = arith.mulf %div3A_6, %div3A_6 : vector<256x128xf32>
    %reduce_sum3A_8 = arith.constant dense<0.000000e+00> : vector<256xf32>
    %reduce_sum3A_9 = vector.multi_reduction <add>, %mul3A_7, %reduce_sum3A_8 [1] : vector<256x128xf32> to vector<256xf32>
    %broadcast_in_dim3A_10 = vector.shape_cast %reduce_sum3A_9 : vector<256xf32> to vector<256x1xf32>
    %sqrt3A_11 = math.sqrt %broadcast_in_dim3A_10 : vector<256x1xf32>
    %jit3A_12 = arith.constant 1.000000e-15 : f32
    %max3A_13 = vector.broadcast %jit3A_12 : f32 to vector<256x1xf32>
    %max3A_14 = arith.maximumf %max3A_13, %sqrt3A_11 : vector<256x1xf32>
    %gt3A = arith.constant 0.995999991 : f32
    %gt3A_15 = vector.broadcast %gt3A : f32 to vector<256x1xf32>
    %gt3A_16 = arith.cmpf ogt, %max3A_14, %gt3A_15 : vector<256x1xf32>
    %div3A_17 = vector.broadcast %max3A_14 : vector<256x1xf32> to vector<256x128xf32>
    %div3A_18 = arith.divf %div3A_6, %div3A_17 : vector<256x128xf32>
    %mul3A_19 = arith.constant 0.995999991 : f32
    %mul3A_20 = vector.broadcast %mul3A_19 : f32 to vector<256x128xf32>
    %mul3A_21 = arith.mulf %div3A_18, %mul3A_20 : vector<256x128xf32>
    %broadcast_in_dim3A_22 = vector.shape_cast %gt3A_16 : vector<256x1xi1> to vector<256x1xi1>
    %broadcast_in_dim3A_23 = vector.broadcast %broadcast_in_dim3A_22 : vector<256x1xi1> to vector<256x128xi1>
    %select_n3A = arith.select %broadcast_in_dim3A_23, %mul3A_21, %div3A_6 : vector<256x128xi1>, vector<256x128xf32>
    %get3A_24 = arith.constant 0 : index
    %get3A_25 = arith.constant 0 : index
    %get3A_26 = vector.load %arg2[%get3A_24, %get3A_25] : memref<128x128xf32, #tpu.memory_space<vmem>>, vector<128x128xf32>
    %get3A_27 = arith.constant 0 : index
    %get3A_28 = arith.constant 0 : index
    %get3A_29 = vector.load %arg3[%get3A_27, %get3A_28] : memref<1x128xf32, #tpu.memory_space<vmem>>, vector<1x128xf32>
    %mul3A_30 = arith.mulf %get3A_29, %get3A_29 : vector<1x128xf32>
    %reduce_sum3A_31 = arith.constant dense<0.000000e+00> : vector<1xf32>
    %reduce_sum3A_32 = vector.multi_reduction <add>, %mul3A_30, %reduce_sum3A_31 [1] : vector<1x128xf32> to vector<1xf32>
    %broadcast_in_dim3A_33 = vector.shape_cast %reduce_sum3A_32 : vector<1xf32> to vector<1x1xf32>
    %sqrt3A_34 = math.sqrt %broadcast_in_dim3A_33 : vector<1x1xf32>
    %jit3A_35 = arith.constant 1.000000e-15 : f32
    %max3A_36 = vector.broadcast %jit3A_35 : f32 to vector<1x1xf32>
    %max3A_37 = arith.maximumf %max3A_36, %sqrt3A_34 : vector<1x1xf32>
    %tanh3A_38 = math.tanh %max3A_37 : vector<1x1xf32>
    %mul3A_39 = vector.broadcast %tanh3A_38 : vector<1x1xf32> to vector<1x128xf32>
    %mul3A_40 = arith.mulf %mul3A_39, %get3A_29 : vector<1x128xf32>
    %div3A_41 = vector.broadcast %max3A_37 : vector<1x1xf32> to vector<1x128xf32>
    %div3A_42 = arith.divf %mul3A_40, %div3A_41 : vector<1x128xf32>
    %mul3A_43 = arith.mulf %div3A_42, %div3A_42 : vector<1x128xf32>
    %reduce_sum3A_44 = arith.constant dense<0.000000e+00> : vector<1xf32>
    %reduce_sum3A_45 = vector.multi_reduction <add>, %mul3A_43, %reduce_sum3A_44 [1] : vector<1x128xf32> to vector<1xf32>
    %broadcast_in_dim3A_46 = vector.shape_cast %reduce_sum3A_45 : vector<1xf32> to vector<1x1xf32>
    %sqrt3A_47 = math.sqrt %broadcast_in_dim3A_46 : vector<1x1xf32>
    %jit3A_48 = arith.constant 1.000000e-15 : f32
    %max3A_49 = vector.broadcast %jit3A_48 : f32 to vector<1x1xf32>
    %max3A_50 = arith.maximumf %max3A_49, %sqrt3A_47 : vector<1x1xf32>
    %gt3A_51 = arith.constant 0.995999991 : f32
    %gt3A_52 = vector.broadcast %gt3A_51 : f32 to vector<1x1xf32>
    %gt3A_53 = arith.cmpf ogt, %max3A_50, %gt3A_52 : vector<1x1xf32>
    %div3A_54 = vector.broadcast %max3A_50 : vector<1x1xf32> to vector<1x128xf32>
    %div3A_55 = arith.divf %div3A_42, %div3A_54 : vector<1x128xf32>
    %mul3A_56 = arith.constant 0.995999991 : f32
    %mul3A_57 = vector.broadcast %mul3A_56 : f32 to vector<1x128xf32>
    %mul3A_58 = arith.mulf %div3A_55, %mul3A_57 : vector<1x128xf32>
    %broadcast_in_dim3A_59 = vector.shape_cast %gt3A_53 : vector<1x1xi1> to vector<1x1xi1>
    %broadcast_in_dim3A_60 = vector.broadcast %broadcast_in_dim3A_59 : vector<1x1xi1> to vector<1x128xi1>
    %select_n3A_61 = arith.select %broadcast_in_dim3A_60, %mul3A_58, %div3A_42 : vector<1x128xi1>, vector<1x128xf32>
    %mul3A_62 = arith.mulf %select_n3A, %select_n3A : vector<256x128xf32>
    %reduce_sum3A_63 = arith.constant dense<0.000000e+00> : vector<256xf32>
    %reduce_sum3A_64 = vector.multi_reduction <add>, %mul3A_62, %reduce_sum3A_63 [1] : vector<256x128xf32> to vector<256xf32>
    %broadcast_in_dim3A_65 = vector.shape_cast %reduce_sum3A_64 : vector<256xf32> to vector<256x1xf32>
    %sqrt3A_66 = math.sqrt %broadcast_in_dim3A_65 : vector<256x1xf32>
    %jit3A_67 = arith.constant 1.000000e-15 : f32
    %max3A_68 = vector.broadcast %jit3A_67 : f32 to vector<256x1xf32>
    %max3A_69 = arith.maximumf %max3A_68, %sqrt3A_66 : vector<256x1xf32>
    %dot_general3A = arith.constant dense<0.000000e+00> : vector<256x128xf32>
    %dot_general3A_70 = tpu.matmul %select_n3A, %get3A_26, %dot_general3A {dimension_numbers = #tpu.dot_dimension_numbers<[1], [1], [0], [0], [0, 0, 1, 0], [], []>, transpose_lhs_hint = false} : vector<256x128xf32>, vector<128x128xf32>, vector<256x128xf32> -> vector<256x128xf32>
    %mul3A_71 = arith.mulf %dot_general3A_70, %dot_general3A_70 : vector<256x128xf32>
    %reduce_sum3A_72 = arith.constant dense<0.000000e+00> : vector<256xf32>
    %reduce_sum3A_73 = vector.multi_reduction <add>, %mul3A_71, %reduce_sum3A_72 [1] : vector<256x128xf32> to vector<256xf32>
    %broadcast_in_dim3A_74 = vector.shape_cast %reduce_sum3A_73 : vector<256xf32> to vector<256x1xf32>
    %sqrt3A_75 = math.sqrt %broadcast_in_dim3A_74 : vector<256x1xf32>
    %jit3A_76 = arith.constant 1.000000e-15 : f32
    %max3A_77 = vector.broadcast %jit3A_76 : f32 to vector<256x1xf32>
    %max3A_78 = arith.maximumf %max3A_77, %sqrt3A_75 : vector<256x1xf32>
    %div3A_79 = arith.divf %max3A_78, %max3A_69 : vector<256x1xf32>
    %jit3A_80 = arith.constant -0.99999988 : f32
    %jit3A_81 = arith.constant 0.99999988 : f32
    %max3A_82 = vector.broadcast %jit3A_80 : f32 to vector<256x1xf32>
    %max3A_83 = arith.maximumf %max3A_82, %max3A_69 : vector<256x1xf32>
    %min3A = vector.broadcast %jit3A_81 : f32 to vector<256x1xf32>
    %min3A_84 = arith.minimumf %min3A, %max3A_83 : vector<256x1xf32>
    %log1p3A = math.log1p %min3A_84 : vector<256x1xf32>
    %neg3A = arith.constant 0.000000e+00 : f32
    %neg3A_85 = vector.broadcast %neg3A : f32 to vector<256x1xf32>
    %neg3A_86 = arith.subf %neg3A_85, %min3A_84 : vector<256x1xf32>
    %log1p3A_87 = math.log1p %neg3A_86 : vector<256x1xf32>
    %sub3A = arith.subf %log1p3A, %log1p3A_87 : vector<256x1xf32>
    %mul3A_88 = arith.constant 5.000000e-01 : f32
    %mul3A_89 = vector.broadcast %mul3A_88 : f32 to vector<256x1xf32>
    %mul3A_90 = arith.mulf %mul3A_89, %sub3A : vector<256x1xf32>
    %mul3A_91 = arith.mulf %div3A_79, %mul3A_90 : vector<256x1xf32>
    %tanh3A_92 = math.tanh %mul3A_91 : vector<256x1xf32>
    %mul3A_93 = vector.broadcast %tanh3A_92 : vector<256x1xf32> to vector<256x128xf32>
    %mul3A_94 = arith.mulf %mul3A_93, %dot_general3A_70 : vector<256x128xf32>
    %div3A_95 = vector.broadcast %max3A_78 : vector<256x1xf32> to vector<256x128xf32>
    %div3A_96 = arith.divf %mul3A_94, %div3A_95 : vector<256x128xf32>
    %abs3A = math.absf %dot_general3A_70 : vector<256x128xf32>
    %reduce_max3A = arith.constant dense<0xFF800000> : vector<256xf32>
    %reduce_max3A_97 = vector.multi_reduction <maximumf>, %abs3A, %reduce_max3A [1] : vector<256x128xf32> to vector<256xf32>
    %broadcast_in_dim3A_98 = vector.shape_cast %reduce_max3A_97 : vector<256xf32> to vector<256x1xf32>
    %eq3A = arith.constant 0.000000e+00 : f32
    %eq3A_99 = vector.broadcast %eq3A : f32 to vector<256x1xf32>
    %eq3A_100 = arith.cmpf oeq, %broadcast_in_dim3A_98, %eq3A_99 : vector<256x1xf32>
    %jit3A_101 = arith.constant 0.000000e+00 : f32
    %broadcast_in_dim3A_102 = vector.shape_cast %eq3A_100 : vector<256x1xi1> to vector<256x1xi1>
    %broadcast_in_dim3A_103 = vector.broadcast %broadcast_in_dim3A_102 : vector<256x1xi1> to vector<256x128xi1>
    %broadcast_in_dim3A_104 = vector.broadcast %jit3A_101 : f32 to vector<256x128xf32>
    %select_n3A_105 = arith.select %broadcast_in_dim3A_103, %broadcast_in_dim3A_104, %div3A_96 : vector<256x128xi1>, vector<256x128xf32>
    %mul3A_106 = arith.mulf %select_n3A_105, %select_n3A_105 : vector<256x128xf32>
    %reduce_sum3A_107 = arith.constant dense<0.000000e+00> : vector<256xf32>
    %reduce_sum3A_108 = vector.multi_reduction <add>, %mul3A_106, %reduce_sum3A_107 [1] : vector<256x128xf32> to vector<256xf32>
    %broadcast_in_dim3A_109 = vector.shape_cast %reduce_sum3A_108 : vector<256xf32> to vector<256x1xf32>
    %sqrt3A_110 = math.sqrt %broadcast_in_dim3A_109 : vector<256x1xf32>
    %jit3A_111 = arith.constant 1.000000e-15 : f32
    %max3A_112 = vector.broadcast %jit3A_111 : f32 to vector<256x1xf32>
    %max3A_113 = arith.maximumf %max3A_112, %sqrt3A_110 : vector<256x1xf32>
    %gt3A_114 = arith.constant 0.995999991 : f32
    %gt3A_115 = vector.broadcast %gt3A_114 : f32 to vector<256x1xf32>
    %gt3A_116 = arith.cmpf ogt, %max3A_113, %gt3A_115 : vector<256x1xf32>
    %div3A_117 = vector.broadcast %max3A_113 : vector<256x1xf32> to vector<256x128xf32>
    %div3A_118 = arith.divf %select_n3A_105, %div3A_117 : vector<256x128xf32>
    %mul3A_119 = arith.constant 0.995999991 : f32
    %mul3A_120 = vector.broadcast %mul3A_119 : f32 to vector<256x128xf32>
    %mul3A_121 = arith.mulf %div3A_118, %mul3A_120 : vector<256x128xf32>
    %broadcast_in_dim3A_122 = vector.shape_cast %gt3A_116 : vector<256x1xi1> to vector<256x1xi1>
    %broadcast_in_dim3A_123 = vector.broadcast %broadcast_in_dim3A_122 : vector<256x1xi1> to vector<256x128xi1>
    %select_n3A_124 = arith.select %broadcast_in_dim3A_123, %mul3A_121, %select_n3A_105 : vector<256x128xi1>, vector<256x128xf32>
    %mul3A_125 = arith.mulf %select_n3A_124, %select_n3A_124 : vector<256x128xf32>
    %reduce_sum3A_126 = arith.constant dense<0.000000e+00> : vector<256xf32>
    %reduce_sum3A_127 = vector.multi_reduction <add>, %mul3A_125, %reduce_sum3A_126 [1] : vector<256x128xf32> to vector<256xf32>
    %broadcast_in_dim3A_128 = vector.shape_cast %reduce_sum3A_127 : vector<256xf32> to vector<256x1xf32>
    %mul3A_129 = arith.mulf %select_n3A_61, %select_n3A_61 : vector<1x128xf32>
    %reduce_sum3A_130 = arith.constant dense<0.000000e+00> : vector<1xf32>
    %reduce_sum3A_131 = vector.multi_reduction <add>, %mul3A_129, %reduce_sum3A_130 [1] : vector<1x128xf32> to vector<1xf32>
    %broadcast_in_dim3A_132 = vector.shape_cast %reduce_sum3A_131 : vector<1xf32> to vector<1x1xf32>
    %mul3A_133 = vector.broadcast %select_n3A_61 : vector<1x128xf32> to vector<256x128xf32>
    %mul3A_134 = arith.mulf %select_n3A_124, %mul3A_133 : vector<256x128xf32>
    %reduce_sum3A_135 = arith.constant dense<0.000000e+00> : vector<256xf32>
    %reduce_sum3A_136 = vector.multi_reduction <add>, %mul3A_134, %reduce_sum3A_135 [1] : vector<256x128xf32> to vector<256xf32>
    %broadcast_in_dim3A_137 = vector.shape_cast %reduce_sum3A_136 : vector<256xf32> to vector<256x1xf32>
    %mul3A_138 = arith.constant 2.000000e+00 : f32
    %mul3A_139 = vector.broadcast %mul3A_138 : f32 to vector<256x1xf32>
    %mul3A_140 = arith.mulf %mul3A_139, %broadcast_in_dim3A_137 : vector<256x1xf32>
    %add3A = arith.constant 1.000000e+00 : f32
    %add3A_141 = vector.broadcast %add3A : f32 to vector<256x1xf32>
    %add3A_142 = arith.addf %add3A_141, %mul3A_140 : vector<256x1xf32>
    %add3A_143 = vector.broadcast %broadcast_in_dim3A_132 : vector<1x1xf32> to vector<256x1xf32>
    %add3A_144 = arith.addf %add3A_142, %add3A_143 : vector<256x1xf32>
    %mul3A_145 = vector.broadcast %add3A_144 : vector<256x1xf32> to vector<256x128xf32>
    %mul3A_146 = arith.mulf %mul3A_145, %select_n3A_124 : vector<256x128xf32>
    %sub3A_147 = arith.constant 1.000000e+00 : f32
    %sub3A_148 = vector.broadcast %sub3A_147 : f32 to vector<256x1xf32>
    %sub3A_149 = arith.subf %sub3A_148, %broadcast_in_dim3A_128 : vector<256x1xf32>
    %mul3A_150 = vector.broadcast %sub3A_149 : vector<256x1xf32> to vector<256x128xf32>
    %mul3A_151 = vector.broadcast %select_n3A_61 : vector<1x128xf32> to vector<256x128xf32>
    %mul3A_152 = arith.mulf %mul3A_150, %mul3A_151 : vector<256x128xf32>
    %add3A_153 = arith.addf %mul3A_146, %mul3A_152 : vector<256x128xf32>
    %mul3A_154 = arith.constant 2.000000e+00 : f32
    %mul3A_155 = vector.broadcast %mul3A_154 : f32 to vector<256x1xf32>
    %mul3A_156 = arith.mulf %mul3A_155, %broadcast_in_dim3A_137 : vector<256x1xf32>
    %add3A_157 = arith.constant 1.000000e+00 : f32
    %add3A_158 = vector.broadcast %add3A_157 : f32 to vector<256x1xf32>
    %add3A_159 = arith.addf %add3A_158, %mul3A_156 : vector<256x1xf32>
    %mul3A_160 = vector.broadcast %broadcast_in_dim3A_132 : vector<1x1xf32> to vector<256x1xf32>
    %mul3A_161 = arith.mulf %broadcast_in_dim3A_128, %mul3A_160 : vector<256x1xf32>
    %add3A_162 = arith.addf %add3A_159, %mul3A_161 : vector<256x1xf32>
    %jit3A_163 = arith.constant 1.000000e-15 : f32
    %max3A_164 = vector.broadcast %jit3A_163 : f32 to vector<256x1xf32>
    %max3A_165 = arith.maximumf %max3A_164, %add3A_162 : vector<256x1xf32>
    %div3A_166 = vector.broadcast %max3A_165 : vector<256x1xf32> to vector<256x128xf32>
    %div3A_167 = arith.divf %add3A_153, %div3A_166 : vector<256x128xf32>
    %mul3A_168 = arith.mulf %div3A_167, %div3A_167 : vector<256x128xf32>
    %reduce_sum3A_169 = arith.constant dense<0.000000e+00> : vector<256xf32>
    %reduce_sum3A_170 = vector.multi_reduction <add>, %mul3A_168, %reduce_sum3A_169 [1] : vector<256x128xf32> to vector<256xf32>
    %broadcast_in_dim3A_171 = vector.shape_cast %reduce_sum3A_170 : vector<256xf32> to vector<256x1xf32>
    %sqrt3A_172 = math.sqrt %broadcast_in_dim3A_171 : vector<256x1xf32>
    %jit3A_173 = arith.constant 1.000000e-15 : f32
    %max3A_174 = vector.broadcast %jit3A_173 : f32 to vector<256x1xf32>
    %max3A_175 = arith.maximumf %max3A_174, %sqrt3A_172 : vector<256x1xf32>
    %gt3A_176 = arith.constant 0.995999991 : f32
    %gt3A_177 = vector.broadcast %gt3A_176 : f32 to vector<256x1xf32>
    %gt3A_178 = arith.cmpf ogt, %max3A_175, %gt3A_177 : vector<256x1xf32>
    %div3A_179 = vector.broadcast %max3A_175 : vector<256x1xf32> to vector<256x128xf32>
    %div3A_180 = arith.divf %div3A_167, %div3A_179 : vector<256x128xf32>
    %mul3A_181 = arith.constant 0.995999991 : f32
    %mul3A_182 = vector.broadcast %mul3A_181 : f32 to vector<256x128xf32>
    %mul3A_183 = arith.mulf %div3A_180, %mul3A_182 : vector<256x128xf32>
    %broadcast_in_dim3A_184 = vector.shape_cast %gt3A_178 : vector<256x1xi1> to vector<256x1xi1>
    %broadcast_in_dim3A_185 = vector.broadcast %broadcast_in_dim3A_184 : vector<256x1xi1> to vector<256x128xi1>
    %select_n3A_186 = arith.select %broadcast_in_dim3A_185, %mul3A_183, %div3A_167 : vector<256x128xi1>, vector<256x128xf32>
    %mul3A_187 = arith.mulf %select_n3A_186, %select_n3A_186 : vector<256x128xf32>
    %reduce_sum3A_188 = arith.constant dense<0.000000e+00> : vector<256xf32>
    %reduce_sum3A_189 = vector.multi_reduction <add>, %mul3A_187, %reduce_sum3A_188 [1] : vector<256x128xf32> to vector<256xf32>
    %broadcast_in_dim3A_190 = vector.shape_cast %reduce_sum3A_189 : vector<256xf32> to vector<256x1xf32>
    %sqrt3A_191 = math.sqrt %broadcast_in_dim3A_190 : vector<256x1xf32>
    %jit3A_192 = arith.constant 1.000000e-15 : f32
    %max3A_193 = vector.broadcast %jit3A_192 : f32 to vector<256x1xf32>
    %max3A_194 = arith.maximumf %max3A_193, %sqrt3A_191 : vector<256x1xf32>
    %div3A_195 = vector.broadcast %max3A_194 : vector<256x1xf32> to vector<256x128xf32>
    %div3A_196 = arith.divf %select_n3A_186, %div3A_195 : vector<256x128xf32>
    %jit3A_197 = arith.constant -0.99999988 : f32
    %jit3A_198 = arith.constant 0.99999988 : f32
    %max3A_199 = vector.broadcast %jit3A_197 : f32 to vector<256x1xf32>
    %max3A_200 = arith.maximumf %max3A_199, %max3A_194 : vector<256x1xf32>
    %min3A_201 = vector.broadcast %jit3A_198 : f32 to vector<256x1xf32>
    %min3A_202 = arith.minimumf %min3A_201, %max3A_200 : vector<256x1xf32>
    %log1p3A_203 = math.log1p %min3A_202 : vector<256x1xf32>
    %neg3A_204 = arith.constant 0.000000e+00 : f32
    %neg3A_205 = vector.broadcast %neg3A_204 : f32 to vector<256x1xf32>
    %neg3A_206 = arith.subf %neg3A_205, %min3A_202 : vector<256x1xf32>
    %log1p3A_207 = math.log1p %neg3A_206 : vector<256x1xf32>
    %sub3A_208 = arith.subf %log1p3A_203, %log1p3A_207 : vector<256x1xf32>
    %mul3A_209 = arith.constant 5.000000e-01 : f32
    %mul3A_210 = vector.broadcast %mul3A_209 : f32 to vector<256x1xf32>
    %mul3A_211 = arith.mulf %mul3A_210, %sub3A_208 : vector<256x1xf32>
    %mul3A_212 = vector.broadcast %mul3A_211 : vector<256x1xf32> to vector<256x128xf32>
    %mul3A_213 = arith.mulf %div3A_196, %mul3A_212 : vector<256x128xf32>
    %swap3A = arith.constant 0 : index
    %swap3A_214 = arith.constant 0 : index
    %swap3A_215 = vector.load %arg4[%swap3A, %swap3A_214] : memref<256x128xf32, #tpu.memory_space<vmem>>, vector<256x128xf32>
    tpu.vector_store %arg4[%swap3A, %swap3A_214], %mul3A_213 {strides = array<i32>} : memref<256x128xf32, #tpu.memory_space<vmem>>, vector<256x128xf32>,
    return
  }
  func.func @transform_0(%arg0: i32) -> (i32, i32) {
    %c0_i32 = arith.constant 0 : i32
    %c0_i32_0 = arith.constant 0 : i32
    return %arg0, %c0_i32 : i32, i32
  }
  func.func @transform_1(%arg0: i32) -> (i32, i32) {
    %c0_i32 = arith.constant 0 : i32
    %c0_i32_0 = arith.constant 0 : i32
    %c0_i32_1 = arith.constant 0 : i32
    return %c0_i32, %c0_i32_0 : i32, i32
  }
  func.func @transform_2(%arg0: i32) -> (i32, i32) {
    %c0_i32 = arith.constant 0 : i32
    %c0_i32_0 = arith.constant 0 : i32
    %c0_i32_1 = arith.constant 0 : i32
    return %c0_i32, %c0_i32_0 : i32, i32
  }
  func.func @transform_3(%arg0: i32) -> (i32, i32) {
    %c0_i32 = arith.constant 0 : i32
    %c0_i32_0 = arith.constant 0 : i32
    return %arg0, %c0_i32 : i32, i32
  }
}

module attributes {stable_mosaic.version = 14 : i64} {
  func.func @_scale_body(%arg0: i32, %arg1: memref<256x128xf32, #tpu.memory_space<vmem>>, %arg2: memref<256x128xf32, #tpu.memory_space<vmem>>, %arg3: memref<256x128xf32, #tpu.memory_space<vmem>>) attributes {dimension_semantics = [#tpu.dimension_semantics<arbitrary>], iteration_bounds = array<i64: 40>, scalar_prefetch = 0 : i64, scratch_operands = 0 : i64, tpu.core_type = #tpu.core_type<tc>, window_params = [{transform_indices = @transform_0, window_bounds = array<i64: 256, 128>}, {transform_indices = @transform_1, window_bounds = array<i64: 256, 128>}, {transform_indices = @transform_2, window_bounds = array<i64: 256, 128>}]} {
    %get3A = arith.constant 0 : index
    %get3A_0 = arith.constant 0 : index
    %get3A_1 = vector.load %arg1[%get3A, %get3A_0] : memref<256x128xf32, #tpu.memory_space<vmem>>, vector<256x128xf32>
    %get3A_2 = arith.constant 0 : index
    %get3A_3 = arith.constant 0 : index
    %get3A_4 = vector.load %arg2[%get3A_2, %get3A_3] : memref<256x128xf32, #tpu.memory_space<vmem>>, vector<256x128xf32>
    %reduce_sum3A = arith.constant dense<0.000000e+00> : vector<256xf32>
    %reduce_sum3A_5 = vector.multi_reduction <add>, %get3A_4, %reduce_sum3A [1] : vector<256x128xf32> to vector<256xf32>
    %broadcast_in_dim3A = vector.shape_cast %reduce_sum3A_5 : vector<256xf32> to vector<256x1xf32>
    %mul3A = arith.constant 7.812500e-03 : f32
    %mul3A_6 = vector.broadcast %mul3A : f32 to vector<256x1xf32>
    %mul3A_7 = arith.mulf %broadcast_in_dim3A, %mul3A_6 : vector<256x1xf32>
    %jit3A = arith.constant 1.000000e+00 : f32
    %max3A = vector.broadcast %jit3A : f32 to vector<256x1xf32>
    %max3A_8 = arith.maximumf %max3A, %mul3A_7 : vector<256x1xf32>
    %rsqrt3A = math.rsqrt %max3A_8 : vector<256x1xf32>
    %mul3A_9 = vector.broadcast %rsqrt3A : vector<256x1xf32> to vector<256x128xf32>
    %mul3A_10 = arith.mulf %get3A_1, %mul3A_9 : vector<256x128xf32>
    %swap3A = arith.constant 0 : index
    %swap3A_11 = arith.constant 0 : index
    %swap3A_12 = vector.load %arg3[%swap3A, %swap3A_11] : memref<256x128xf32, #tpu.memory_space<vmem>>, vector<256x128xf32>
    tpu.vector_store %arg3[%swap3A, %swap3A_11], %mul3A_10 {strides = array<i32>} : memref<256x128xf32, #tpu.memory_space<vmem>>, vector<256x128xf32>,
    return
  }
  func.func @transform_0(%arg0: i32) -> (i32, i32) {
    %c0_i32 = arith.constant 0 : i32
    %c0_i32_0 = arith.constant 0 : i32
    return %arg0, %c0_i32 : i32, i32
  }
  func.func @transform_1(%arg0: i32) -> (i32, i32) {
    %c0_i32 = arith.constant 0 : i32
    %c0_i32_0 = arith.constant 0 : i32
    return %arg0, %c0_i32 : i32, i32
  }
  func.func @transform_2(%arg0: i32) -> (i32, i32) {
    %c0_i32 = arith.constant 0 : i32
    %c0_i32_0 = arith.constant 0 : i32
    return %arg0, %c0_i32 : i32, i32
  }
}

module attributes {stable_mosaic.version = 14 : i64} {
  func.func @_tail_body(%arg0: i32, %arg1: memref<2x256x128xf32, #tpu.memory_space<vmem>>, %arg2: memref<256x128xf32, #tpu.memory_space<vmem>>, %arg3: memref<256x128xf32, #tpu.memory_space<vmem>>) attributes {dimension_semantics = [#tpu.dimension_semantics<arbitrary>], iteration_bounds = array<i64: 40>, scalar_prefetch = 0 : i64, scratch_operands = 0 : i64, tpu.core_type = #tpu.core_type<tc>, window_params = [{transform_indices = @transform_0, window_bounds = array<i64: 2, 256, 128>}, {transform_indices = @transform_1, window_bounds = array<i64: 256, 128>}, {transform_indices = @transform_2, window_bounds = array<i64: 256, 128>}]} {
    %get3A = arith.constant 0 : index
    %get3A_0 = arith.constant 0 : index
    %get3A_1 = arith.constant 0 : index
    %get3A_2 = vector.load %arg1[%get3A, %get3A_0, %get3A_1] : memref<2x256x128xf32, #tpu.memory_space<vmem>>, vector<2x256x128xf32>
    %slice3A = vector.extract_strided_slice %get3A_2 {offsets = [0, 0, 0], sizes = [1, 256, 128], strides = [1, 1, 1]} : vector<2x256x128xf32> to vector<1x256x128xf32>
    %squeeze3A = vector.shape_cast %slice3A : vector<1x256x128xf32> to vector<256x128xf32>
    %slice3A_3 = vector.extract_strided_slice %get3A_2 {offsets = [1, 0, 0], sizes = [1, 256, 128], strides = [1, 1, 1]} : vector<2x256x128xf32> to vector<1x256x128xf32>
    %squeeze3A_4 = vector.shape_cast %slice3A_3 : vector<1x256x128xf32> to vector<256x128xf32>
    %add3A = arith.addf %squeeze3A, %squeeze3A_4 : vector<256x128xf32>
    %get3A_5 = arith.constant 0 : index
    %get3A_6 = arith.constant 0 : index
    %get3A_7 = vector.load %arg2[%get3A_5, %get3A_6] : memref<256x128xf32, #tpu.memory_space<vmem>>, vector<256x128xf32>
    %reduce_sum3A = arith.constant dense<0.000000e+00> : vector<256xf32>
    %reduce_sum3A_8 = vector.multi_reduction <add>, %get3A_7, %reduce_sum3A [1] : vector<256x128xf32> to vector<256xf32>
    %broadcast_in_dim3A = vector.shape_cast %reduce_sum3A_8 : vector<256xf32> to vector<256x1xf32>
    %mul3A = arith.constant 7.812500e-03 : f32
    %mul3A_9 = vector.broadcast %mul3A : f32 to vector<256x1xf32>
    %mul3A_10 = arith.mulf %broadcast_in_dim3A, %mul3A_9 : vector<256x1xf32>
    %jit3A = arith.constant 1.000000e+00 : f32
    %max3A = vector.broadcast %jit3A : f32 to vector<256x1xf32>
    %max3A_11 = arith.maximumf %max3A, %mul3A_10 : vector<256x1xf32>
    %rsqrt3A = math.rsqrt %max3A_11 : vector<256x1xf32>
    %mul3A_12 = vector.broadcast %rsqrt3A : vector<256x1xf32> to vector<256x128xf32>
    %mul3A_13 = arith.mulf %add3A, %mul3A_12 : vector<256x128xf32>
    %mul3A_14 = arith.mulf %mul3A_13, %mul3A_13 : vector<256x128xf32>
    %reduce_sum3A_15 = arith.constant dense<0.000000e+00> : vector<256xf32>
    %reduce_sum3A_16 = vector.multi_reduction <add>, %mul3A_14, %reduce_sum3A_15 [1] : vector<256x128xf32> to vector<256xf32>
    %broadcast_in_dim3A_17 = vector.shape_cast %reduce_sum3A_16 : vector<256xf32> to vector<256x1xf32>
    %sqrt3A = math.sqrt %broadcast_in_dim3A_17 : vector<256x1xf32>
    %jit3A_18 = arith.constant 1.000000e-15 : f32
    %max3A_19 = vector.broadcast %jit3A_18 : f32 to vector<256x1xf32>
    %max3A_20 = arith.maximumf %max3A_19, %sqrt3A : vector<256x1xf32>
    %tanh3A = math.tanh %max3A_20 : vector<256x1xf32>
    %mul3A_21 = vector.broadcast %tanh3A : vector<256x1xf32> to vector<256x128xf32>
    %mul3A_22 = arith.mulf %mul3A_21, %mul3A_13 : vector<256x128xf32>
    %div3A = vector.broadcast %max3A_20 : vector<256x1xf32> to vector<256x128xf32>
    %div3A_23 = arith.divf %mul3A_22, %div3A : vector<256x128xf32>
    %mul3A_24 = arith.mulf %div3A_23, %div3A_23 : vector<256x128xf32>
    %reduce_sum3A_25 = arith.constant dense<0.000000e+00> : vector<256xf32>
    %reduce_sum3A_26 = vector.multi_reduction <add>, %mul3A_24, %reduce_sum3A_25 [1] : vector<256x128xf32> to vector<256xf32>
    %broadcast_in_dim3A_27 = vector.shape_cast %reduce_sum3A_26 : vector<256xf32> to vector<256x1xf32>
    %sqrt3A_28 = math.sqrt %broadcast_in_dim3A_27 : vector<256x1xf32>
    %jit3A_29 = arith.constant 1.000000e-15 : f32
    %max3A_30 = vector.broadcast %jit3A_29 : f32 to vector<256x1xf32>
    %max3A_31 = arith.maximumf %max3A_30, %sqrt3A_28 : vector<256x1xf32>
    %gt3A = arith.constant 0.995999991 : f32
    %gt3A_32 = vector.broadcast %gt3A : f32 to vector<256x1xf32>
    %gt3A_33 = arith.cmpf ogt, %max3A_31, %gt3A_32 : vector<256x1xf32>
    %div3A_34 = vector.broadcast %max3A_31 : vector<256x1xf32> to vector<256x128xf32>
    %div3A_35 = arith.divf %div3A_23, %div3A_34 : vector<256x128xf32>
    %mul3A_36 = arith.constant 0.995999991 : f32
    %mul3A_37 = vector.broadcast %mul3A_36 : f32 to vector<256x128xf32>
    %mul3A_38 = arith.mulf %div3A_35, %mul3A_37 : vector<256x128xf32>
    %broadcast_in_dim3A_39 = vector.shape_cast %gt3A_33 : vector<256x1xi1> to vector<256x1xi1>
    %broadcast_in_dim3A_40 = vector.broadcast %broadcast_in_dim3A_39 : vector<256x1xi1> to vector<256x128xi1>
    %select_n3A = arith.select %broadcast_in_dim3A_40, %mul3A_38, %div3A_23 : vector<256x128xi1>, vector<256x128xf32>
    %mul3A_41 = arith.mulf %select_n3A, %select_n3A : vector<256x128xf32>
    %reduce_sum3A_42 = arith.constant dense<0.000000e+00> : vector<256xf32>
    %reduce_sum3A_43 = vector.multi_reduction <add>, %mul3A_41, %reduce_sum3A_42 [1] : vector<256x128xf32> to vector<256xf32>
    %broadcast_in_dim3A_44 = vector.shape_cast %reduce_sum3A_43 : vector<256xf32> to vector<256x1xf32>
    %sqrt3A_45 = math.sqrt %broadcast_in_dim3A_44 : vector<256x1xf32>
    %jit3A_46 = arith.constant 1.000000e-15 : f32
    %max3A_47 = vector.broadcast %jit3A_46 : f32 to vector<256x1xf32>
    %max3A_48 = arith.maximumf %max3A_47, %sqrt3A_45 : vector<256x1xf32>
    %div3A_49 = vector.broadcast %max3A_48 : vector<256x1xf32> to vector<256x128xf32>
    %div3A_50 = arith.divf %select_n3A, %div3A_49 : vector<256x128xf32>
    %jit3A_51 = arith.constant -0.99999988 : f32
    %jit3A_52 = arith.constant 0.99999988 : f32
    %max3A_53 = vector.broadcast %jit3A_51 : f32 to vector<256x1xf32>
    %max3A_54 = arith.maximumf %max3A_53, %max3A_48 : vector<256x1xf32>
    %min3A = vector.broadcast %jit3A_52 : f32 to vector<256x1xf32>
    %min3A_55 = arith.minimumf %min3A, %max3A_54 : vector<256x1xf32>
    %log1p3A = math.log1p %min3A_55 : vector<256x1xf32>
    %neg3A = arith.constant 0.000000e+00 : f32
    %neg3A_56 = vector.broadcast %neg3A : f32 to vector<256x1xf32>
    %neg3A_57 = arith.subf %neg3A_56, %min3A_55 : vector<256x1xf32>
    %log1p3A_58 = math.log1p %neg3A_57 : vector<256x1xf32>
    %sub3A = arith.subf %log1p3A, %log1p3A_58 : vector<256x1xf32>
    %mul3A_59 = arith.constant 5.000000e-01 : f32
    %mul3A_60 = vector.broadcast %mul3A_59 : f32 to vector<256x1xf32>
    %mul3A_61 = arith.mulf %mul3A_60, %sub3A : vector<256x1xf32>
    %mul3A_62 = vector.broadcast %mul3A_61 : vector<256x1xf32> to vector<256x128xf32>
    %mul3A_63 = arith.mulf %div3A_50, %mul3A_62 : vector<256x128xf32>
    %max3A_64 = arith.constant 0.000000e+00 : f32
    %max3A_65 = vector.broadcast %max3A_64 : f32 to vector<256x128xf32>
    %max3A_66 = arith.maximumf %mul3A_63, %max3A_65 : vector<256x128xf32>
    %mul3A_67 = arith.mulf %max3A_66, %max3A_66 : vector<256x128xf32>
    %reduce_sum3A_68 = arith.constant dense<0.000000e+00> : vector<256xf32>
    %reduce_sum3A_69 = vector.multi_reduction <add>, %mul3A_67, %reduce_sum3A_68 [1] : vector<256x128xf32> to vector<256xf32>
    %broadcast_in_dim3A_70 = vector.shape_cast %reduce_sum3A_69 : vector<256xf32> to vector<256x1xf32>
    %sqrt3A_71 = math.sqrt %broadcast_in_dim3A_70 : vector<256x1xf32>
    %jit3A_72 = arith.constant 1.000000e-15 : f32
    %max3A_73 = vector.broadcast %jit3A_72 : f32 to vector<256x1xf32>
    %max3A_74 = arith.maximumf %max3A_73, %sqrt3A_71 : vector<256x1xf32>
    %tanh3A_75 = math.tanh %max3A_74 : vector<256x1xf32>
    %mul3A_76 = vector.broadcast %tanh3A_75 : vector<256x1xf32> to vector<256x128xf32>
    %mul3A_77 = arith.mulf %mul3A_76, %max3A_66 : vector<256x128xf32>
    %div3A_78 = vector.broadcast %max3A_74 : vector<256x1xf32> to vector<256x128xf32>
    %div3A_79 = arith.divf %mul3A_77, %div3A_78 : vector<256x128xf32>
    %mul3A_80 = arith.mulf %div3A_79, %div3A_79 : vector<256x128xf32>
    %reduce_sum3A_81 = arith.constant dense<0.000000e+00> : vector<256xf32>
    %reduce_sum3A_82 = vector.multi_reduction <add>, %mul3A_80, %reduce_sum3A_81 [1] : vector<256x128xf32> to vector<256xf32>
    %broadcast_in_dim3A_83 = vector.shape_cast %reduce_sum3A_82 : vector<256xf32> to vector<256x1xf32>
    %sqrt3A_84 = math.sqrt %broadcast_in_dim3A_83 : vector<256x1xf32>
    %jit3A_85 = arith.constant 1.000000e-15 : f32
    %max3A_86 = vector.broadcast %jit3A_85 : f32 to vector<256x1xf32>
    %max3A_87 = arith.maximumf %max3A_86, %sqrt3A_84 : vector<256x1xf32>
    %gt3A_88 = arith.constant 0.995999991 : f32
    %gt3A_89 = vector.broadcast %gt3A_88 : f32 to vector<256x1xf32>
    %gt3A_90 = arith.cmpf ogt, %max3A_87, %gt3A_89 : vector<256x1xf32>
    %div3A_91 = vector.broadcast %max3A_87 : vector<256x1xf32> to vector<256x128xf32>
    %div3A_92 = arith.divf %div3A_79, %div3A_91 : vector<256x128xf32>
    %mul3A_93 = arith.constant 0.995999991 : f32
    %mul3A_94 = vector.broadcast %mul3A_93 : f32 to vector<256x128xf32>
    %mul3A_95 = arith.mulf %div3A_92, %mul3A_94 : vector<256x128xf32>
    %broadcast_in_dim3A_96 = vector.shape_cast %gt3A_90 : vector<256x1xi1> to vector<256x1xi1>
    %broadcast_in_dim3A_97 = vector.broadcast %broadcast_in_dim3A_96 : vector<256x1xi1> to vector<256x128xi1>
    %select_n3A_98 = arith.select %broadcast_in_dim3A_97, %mul3A_95, %div3A_79 : vector<256x128xi1>, vector<256x128xf32>
    %swap3A = arith.constant 0 : index
    %swap3A_99 = arith.constant 0 : index
    %swap3A_100 = vector.load %arg3[%swap3A, %swap3A_99] : memref<256x128xf32, #tpu.memory_space<vmem>>, vector<256x128xf32>
    tpu.vector_store %arg3[%swap3A, %swap3A_99], %select_n3A_98 {strides = array<i32>} : memref<256x128xf32, #tpu.memory_space<vmem>>, vector<256x128xf32>,
    return
  }
  func.func @transform_0(%arg0: i32) -> (i32, i32, i32) {
    %c0_i32 = arith.constant 0 : i32
    %c0_i32_0 = arith.constant 0 : i32
    %c0_i32_1 = arith.constant 0 : i32
    return %c0_i32, %arg0, %c0_i32_0 : i32, i32, i32
  }
  func.func @transform_1(%arg0: i32) -> (i32, i32) {
    %c0_i32 = arith.constant 0 : i32
    %c0_i32_0 = arith.constant 0 : i32
    return %arg0, %c0_i32 : i32, i32
  }
  func.func @transform_2(%arg0: i32) -> (i32, i32) {
    %c0_i32 = arith.constant 0 : i32
    %c0_i32_0 = arith.constant 0 : i32
    return %arg0, %c0_i32 : i32, i32
  }
}

module attributes {stable_mosaic.version = 14 : i64} {
  func.func @_mid_body(%arg0: i32, %arg1: memref<2x256x128xf32, #tpu.memory_space<vmem>>, %arg2: memref<256x128xf32, #tpu.memory_space<vmem>>, %arg3: memref<256x128xf32, #tpu.memory_space<vmem>>, %arg4: memref<128x128xf32, #tpu.memory_space<vmem>>, %arg5: memref<1x128xf32, #tpu.memory_space<vmem>>, %arg6: memref<256x128xf32, #tpu.memory_space<vmem>>) attributes {dimension_semantics = [#tpu.dimension_semantics<arbitrary>], iteration_bounds = array<i64: 40>, scalar_prefetch = 0 : i64, scratch_operands = 0 : i64, tpu.core_type = #tpu.core_type<tc>, window_params = [{transform_indices = @transform_0, window_bounds = array<i64: 2, 256, 128>}, {transform_indices = @transform_1, window_bounds = array<i64: 256, 128>}, {transform_indices = @transform_2, window_bounds = array<i64: 256, 128>}, {pipeline_mode = #tpu.pipeline_mode<synchronous>, transform_indices = @transform_3, window_bounds = array<i64: 128, 128>}, {pipeline_mode = #tpu.pipeline_mode<synchronous>, transform_indices = @transform_4, window_bounds = array<i64: 1, 128>}, {transform_indices = @transform_5, window_bounds = array<i64: 256, 128>}]} {
    %get3A = arith.constant 0 : index
    %get3A_0 = arith.constant 0 : index
    %get3A_1 = arith.constant 0 : index
    %get3A_2 = vector.load %arg1[%get3A, %get3A_0, %get3A_1] : memref<2x256x128xf32, #tpu.memory_space<vmem>>, vector<2x256x128xf32>
    %slice3A = vector.extract_strided_slice %get3A_2 {offsets = [0, 0, 0], sizes = [1, 256, 128], strides = [1, 1, 1]} : vector<2x256x128xf32> to vector<1x256x128xf32>
    %squeeze3A = vector.shape_cast %slice3A : vector<1x256x128xf32> to vector<256x128xf32>
    %slice3A_3 = vector.extract_strided_slice %get3A_2 {offsets = [1, 0, 0], sizes = [1, 256, 128], strides = [1, 1, 1]} : vector<2x256x128xf32> to vector<1x256x128xf32>
    %squeeze3A_4 = vector.shape_cast %slice3A_3 : vector<1x256x128xf32> to vector<256x128xf32>
    %add3A = arith.addf %squeeze3A, %squeeze3A_4 : vector<256x128xf32>
    %get3A_5 = arith.constant 0 : index
    %get3A_6 = arith.constant 0 : index
    %get3A_7 = vector.load %arg2[%get3A_5, %get3A_6] : memref<256x128xf32, #tpu.memory_space<vmem>>, vector<256x128xf32>
    %reduce_sum3A = arith.constant dense<0.000000e+00> : vector<256xf32>
    %reduce_sum3A_8 = vector.multi_reduction <add>, %get3A_7, %reduce_sum3A [1] : vector<256x128xf32> to vector<256xf32>
    %broadcast_in_dim3A = vector.shape_cast %reduce_sum3A_8 : vector<256xf32> to vector<256x1xf32>
    %mul3A = arith.constant 7.812500e-03 : f32
    %mul3A_9 = vector.broadcast %mul3A : f32 to vector<256x1xf32>
    %mul3A_10 = arith.mulf %broadcast_in_dim3A, %mul3A_9 : vector<256x1xf32>
    %jit3A = arith.constant 1.000000e+00 : f32
    %max3A = vector.broadcast %jit3A : f32 to vector<256x1xf32>
    %max3A_11 = arith.maximumf %max3A, %mul3A_10 : vector<256x1xf32>
    %rsqrt3A = math.rsqrt %max3A_11 : vector<256x1xf32>
    %mul3A_12 = vector.broadcast %rsqrt3A : vector<256x1xf32> to vector<256x128xf32>
    %mul3A_13 = arith.mulf %add3A, %mul3A_12 : vector<256x128xf32>
    %mul3A_14 = arith.mulf %mul3A_13, %mul3A_13 : vector<256x128xf32>
    %reduce_sum3A_15 = arith.constant dense<0.000000e+00> : vector<256xf32>
    %reduce_sum3A_16 = vector.multi_reduction <add>, %mul3A_14, %reduce_sum3A_15 [1] : vector<256x128xf32> to vector<256xf32>
    %broadcast_in_dim3A_17 = vector.shape_cast %reduce_sum3A_16 : vector<256xf32> to vector<256x1xf32>
    %sqrt3A = math.sqrt %broadcast_in_dim3A_17 : vector<256x1xf32>
    %jit3A_18 = arith.constant 1.000000e-15 : f32
    %max3A_19 = vector.broadcast %jit3A_18 : f32 to vector<256x1xf32>
    %max3A_20 = arith.maximumf %max3A_19, %sqrt3A : vector<256x1xf32>
    %tanh3A = math.tanh %max3A_20 : vector<256x1xf32>
    %mul3A_21 = vector.broadcast %tanh3A : vector<256x1xf32> to vector<256x128xf32>
    %mul3A_22 = arith.mulf %mul3A_21, %mul3A_13 : vector<256x128xf32>
    %div3A = vector.broadcast %max3A_20 : vector<256x1xf32> to vector<256x128xf32>
    %div3A_23 = arith.divf %mul3A_22, %div3A : vector<256x128xf32>
    %mul3A_24 = arith.mulf %div3A_23, %div3A_23 : vector<256x128xf32>
    %reduce_sum3A_25 = arith.constant dense<0.000000e+00> : vector<256xf32>
    %reduce_sum3A_26 = vector.multi_reduction <add>, %mul3A_24, %reduce_sum3A_25 [1] : vector<256x128xf32> to vector<256xf32>
    %broadcast_in_dim3A_27 = vector.shape_cast %reduce_sum3A_26 : vector<256xf32> to vector<256x1xf32>
    %sqrt3A_28 = math.sqrt %broadcast_in_dim3A_27 : vector<256x1xf32>
    %jit3A_29 = arith.constant 1.000000e-15 : f32
    %max3A_30 = vector.broadcast %jit3A_29 : f32 to vector<256x1xf32>
    %max3A_31 = arith.maximumf %max3A_30, %sqrt3A_28 : vector<256x1xf32>
    %gt3A = arith.constant 0.995999991 : f32
    %gt3A_32 = vector.broadcast %gt3A : f32 to vector<256x1xf32>
    %gt3A_33 = arith.cmpf ogt, %max3A_31, %gt3A_32 : vector<256x1xf32>
    %div3A_34 = vector.broadcast %max3A_31 : vector<256x1xf32> to vector<256x128xf32>
    %div3A_35 = arith.divf %div3A_23, %div3A_34 : vector<256x128xf32>
    %mul3A_36 = arith.constant 0.995999991 : f32
    %mul3A_37 = vector.broadcast %mul3A_36 : f32 to vector<256x128xf32>
    %mul3A_38 = arith.mulf %div3A_35, %mul3A_37 : vector<256x128xf32>
    %broadcast_in_dim3A_39 = vector.shape_cast %gt3A_33 : vector<256x1xi1> to vector<256x1xi1>
    %broadcast_in_dim3A_40 = vector.broadcast %broadcast_in_dim3A_39 : vector<256x1xi1> to vector<256x128xi1>
    %select_n3A = arith.select %broadcast_in_dim3A_40, %mul3A_38, %div3A_23 : vector<256x128xi1>, vector<256x128xf32>
    %mul3A_41 = arith.mulf %select_n3A, %select_n3A : vector<256x128xf32>
    %reduce_sum3A_42 = arith.constant dense<0.000000e+00> : vector<256xf32>
    %reduce_sum3A_43 = vector.multi_reduction <add>, %mul3A_41, %reduce_sum3A_42 [1] : vector<256x128xf32> to vector<256xf32>
    %broadcast_in_dim3A_44 = vector.shape_cast %reduce_sum3A_43 : vector<256xf32> to vector<256x1xf32>
    %sqrt3A_45 = math.sqrt %broadcast_in_dim3A_44 : vector<256x1xf32>
    %jit3A_46 = arith.constant 1.000000e-15 : f32
    %max3A_47 = vector.broadcast %jit3A_46 : f32 to vector<256x1xf32>
    %max3A_48 = arith.maximumf %max3A_47, %sqrt3A_45 : vector<256x1xf32>
    %div3A_49 = vector.broadcast %max3A_48 : vector<256x1xf32> to vector<256x128xf32>
    %div3A_50 = arith.divf %select_n3A, %div3A_49 : vector<256x128xf32>
    %jit3A_51 = arith.constant -0.99999988 : f32
    %jit3A_52 = arith.constant 0.99999988 : f32
    %max3A_53 = vector.broadcast %jit3A_51 : f32 to vector<256x1xf32>
    %max3A_54 = arith.maximumf %max3A_53, %max3A_48 : vector<256x1xf32>
    %min3A = vector.broadcast %jit3A_52 : f32 to vector<256x1xf32>
    %min3A_55 = arith.minimumf %min3A, %max3A_54 : vector<256x1xf32>
    %log1p3A = math.log1p %min3A_55 : vector<256x1xf32>
    %neg3A = arith.constant 0.000000e+00 : f32
    %neg3A_56 = vector.broadcast %neg3A : f32 to vector<256x1xf32>
    %neg3A_57 = arith.subf %neg3A_56, %min3A_55 : vector<256x1xf32>
    %log1p3A_58 = math.log1p %neg3A_57 : vector<256x1xf32>
    %sub3A = arith.subf %log1p3A, %log1p3A_58 : vector<256x1xf32>
    %mul3A_59 = arith.constant 5.000000e-01 : f32
    %mul3A_60 = vector.broadcast %mul3A_59 : f32 to vector<256x1xf32>
    %mul3A_61 = arith.mulf %mul3A_60, %sub3A : vector<256x1xf32>
    %mul3A_62 = vector.broadcast %mul3A_61 : vector<256x1xf32> to vector<256x128xf32>
    %mul3A_63 = arith.mulf %div3A_50, %mul3A_62 : vector<256x128xf32>
    %max3A_64 = arith.constant 0.000000e+00 : f32
    %max3A_65 = vector.broadcast %max3A_64 : f32 to vector<256x128xf32>
    %max3A_66 = arith.maximumf %mul3A_63, %max3A_65 : vector<256x128xf32>
    %mul3A_67 = arith.mulf %max3A_66, %max3A_66 : vector<256x128xf32>
    %reduce_sum3A_68 = arith.constant dense<0.000000e+00> : vector<256xf32>
    %reduce_sum3A_69 = vector.multi_reduction <add>, %mul3A_67, %reduce_sum3A_68 [1] : vector<256x128xf32> to vector<256xf32>
    %broadcast_in_dim3A_70 = vector.shape_cast %reduce_sum3A_69 : vector<256xf32> to vector<256x1xf32>
    %sqrt3A_71 = math.sqrt %broadcast_in_dim3A_70 : vector<256x1xf32>
    %jit3A_72 = arith.constant 1.000000e-15 : f32
    %max3A_73 = vector.broadcast %jit3A_72 : f32 to vector<256x1xf32>
    %max3A_74 = arith.maximumf %max3A_73, %sqrt3A_71 : vector<256x1xf32>
    %tanh3A_75 = math.tanh %max3A_74 : vector<256x1xf32>
    %mul3A_76 = vector.broadcast %tanh3A_75 : vector<256x1xf32> to vector<256x128xf32>
    %mul3A_77 = arith.mulf %mul3A_76, %max3A_66 : vector<256x128xf32>
    %div3A_78 = vector.broadcast %max3A_74 : vector<256x1xf32> to vector<256x128xf32>
    %div3A_79 = arith.divf %mul3A_77, %div3A_78 : vector<256x128xf32>
    %mul3A_80 = arith.mulf %div3A_79, %div3A_79 : vector<256x128xf32>
    %reduce_sum3A_81 = arith.constant dense<0.000000e+00> : vector<256xf32>
    %reduce_sum3A_82 = vector.multi_reduction <add>, %mul3A_80, %reduce_sum3A_81 [1] : vector<256x128xf32> to vector<256xf32>
    %broadcast_in_dim3A_83 = vector.shape_cast %reduce_sum3A_82 : vector<256xf32> to vector<256x1xf32>
    %sqrt3A_84 = math.sqrt %broadcast_in_dim3A_83 : vector<256x1xf32>
    %jit3A_85 = arith.constant 1.000000e-15 : f32
    %max3A_86 = vector.broadcast %jit3A_85 : f32 to vector<256x1xf32>
    %max3A_87 = arith.maximumf %max3A_86, %sqrt3A_84 : vector<256x1xf32>
    %gt3A_88 = arith.constant 0.995999991 : f32
    %gt3A_89 = vector.broadcast %gt3A_88 : f32 to vector<256x1xf32>
    %gt3A_90 = arith.cmpf ogt, %max3A_87, %gt3A_89 : vector<256x1xf32>
    %div3A_91 = vector.broadcast %max3A_87 : vector<256x1xf32> to vector<256x128xf32>
    %div3A_92 = arith.divf %div3A_79, %div3A_91 : vector<256x128xf32>
    %mul3A_93 = arith.constant 0.995999991 : f32
    %mul3A_94 = vector.broadcast %mul3A_93 : f32 to vector<256x128xf32>
    %mul3A_95 = arith.mulf %div3A_92, %mul3A_94 : vector<256x128xf32>
    %broadcast_in_dim3A_96 = vector.shape_cast %gt3A_90 : vector<256x1xi1> to vector<256x1xi1>
    %broadcast_in_dim3A_97 = vector.broadcast %broadcast_in_dim3A_96 : vector<256x1xi1> to vector<256x128xi1>
    %select_n3A_98 = arith.select %broadcast_in_dim3A_97, %mul3A_95, %div3A_79 : vector<256x128xi1>, vector<256x128xf32>
    %get3A_99 = arith.constant 0 : index
    %get3A_100 = arith.constant 0 : index
    %get3A_101 = vector.load %arg4[%get3A_99, %get3A_100] : memref<128x128xf32, #tpu.memory_space<vmem>>, vector<128x128xf32>
    %get3A_102 = arith.constant 0 : index
    %get3A_103 = arith.constant 0 : index
    %get3A_104 = vector.load %arg5[%get3A_102, %get3A_103] : memref<1x128xf32, #tpu.memory_space<vmem>>, vector<1x128xf32>
    %mul3A_105 = arith.mulf %get3A_104, %get3A_104 : vector<1x128xf32>
    %reduce_sum3A_106 = arith.constant dense<0.000000e+00> : vector<1xf32>
    %reduce_sum3A_107 = vector.multi_reduction <add>, %mul3A_105, %reduce_sum3A_106 [1] : vector<1x128xf32> to vector<1xf32>
    %broadcast_in_dim3A_108 = vector.shape_cast %reduce_sum3A_107 : vector<1xf32> to vector<1x1xf32>
    %sqrt3A_109 = math.sqrt %broadcast_in_dim3A_108 : vector<1x1xf32>
    %jit3A_110 = arith.constant 1.000000e-15 : f32
    %max3A_111 = vector.broadcast %jit3A_110 : f32 to vector<1x1xf32>
    %max3A_112 = arith.maximumf %max3A_111, %sqrt3A_109 : vector<1x1xf32>
    %tanh3A_113 = math.tanh %max3A_112 : vector<1x1xf32>
    %mul3A_114 = vector.broadcast %tanh3A_113 : vector<1x1xf32> to vector<1x128xf32>
    %mul3A_115 = arith.mulf %mul3A_114, %get3A_104 : vector<1x128xf32>
    %div3A_116 = vector.broadcast %max3A_112 : vector<1x1xf32> to vector<1x128xf32>
    %div3A_117 = arith.divf %mul3A_115, %div3A_116 : vector<1x128xf32>
    %mul3A_118 = arith.mulf %div3A_117, %div3A_117 : vector<1x128xf32>
    %reduce_sum3A_119 = arith.constant dense<0.000000e+00> : vector<1xf32>
    %reduce_sum3A_120 = vector.multi_reduction <add>, %mul3A_118, %reduce_sum3A_119 [1] : vector<1x128xf32> to vector<1xf32>
    %broadcast_in_dim3A_121 = vector.shape_cast %reduce_sum3A_120 : vector<1xf32> to vector<1x1xf32>
    %sqrt3A_122 = math.sqrt %broadcast_in_dim3A_121 : vector<1x1xf32>
    %jit3A_123 = arith.constant 1.000000e-15 : f32
    %max3A_124 = vector.broadcast %jit3A_123 : f32 to vector<1x1xf32>
    %max3A_125 = arith.maximumf %max3A_124, %sqrt3A_122 : vector<1x1xf32>
    %gt3A_126 = arith.constant 0.995999991 : f32
    %gt3A_127 = vector.broadcast %gt3A_126 : f32 to vector<1x1xf32>
    %gt3A_128 = arith.cmpf ogt, %max3A_125, %gt3A_127 : vector<1x1xf32>
    %div3A_129 = vector.broadcast %max3A_125 : vector<1x1xf32> to vector<1x128xf32>
    %div3A_130 = arith.divf %div3A_117, %div3A_129 : vector<1x128xf32>
    %mul3A_131 = arith.constant 0.995999991 : f32
    %mul3A_132 = vector.broadcast %mul3A_131 : f32 to vector<1x128xf32>
    %mul3A_133 = arith.mulf %div3A_130, %mul3A_132 : vector<1x128xf32>
    %broadcast_in_dim3A_134 = vector.shape_cast %gt3A_128 : vector<1x1xi1> to vector<1x1xi1>
    %broadcast_in_dim3A_135 = vector.broadcast %broadcast_in_dim3A_134 : vector<1x1xi1> to vector<1x128xi1>
    %select_n3A_136 = arith.select %broadcast_in_dim3A_135, %mul3A_133, %div3A_117 : vector<1x128xi1>, vector<1x128xf32>
    %mul3A_137 = arith.mulf %select_n3A_98, %select_n3A_98 : vector<256x128xf32>
    %reduce_sum3A_138 = arith.constant dense<0.000000e+00> : vector<256xf32>
    %reduce_sum3A_139 = vector.multi_reduction <add>, %mul3A_137, %reduce_sum3A_138 [1] : vector<256x128xf32> to vector<256xf32>
    %broadcast_in_dim3A_140 = vector.shape_cast %reduce_sum3A_139 : vector<256xf32> to vector<256x1xf32>
    %sqrt3A_141 = math.sqrt %broadcast_in_dim3A_140 : vector<256x1xf32>
    %jit3A_142 = arith.constant 1.000000e-15 : f32
    %max3A_143 = vector.broadcast %jit3A_142 : f32 to vector<256x1xf32>
    %max3A_144 = arith.maximumf %max3A_143, %sqrt3A_141 : vector<256x1xf32>
    %dot_general3A = arith.constant dense<0.000000e+00> : vector<256x128xf32>
    %dot_general3A_145 = tpu.matmul %select_n3A_98, %get3A_101, %dot_general3A {dimension_numbers = #tpu.dot_dimension_numbers<[1], [1], [0], [0], [0, 0, 1, 0], [], []>, transpose_lhs_hint = false} : vector<256x128xf32>, vector<128x128xf32>, vector<256x128xf32> -> vector<256x128xf32>
    %mul3A_146 = arith.mulf %dot_general3A_145, %dot_general3A_145 : vector<256x128xf32>
    %reduce_sum3A_147 = arith.constant dense<0.000000e+00> : vector<256xf32>
    %reduce_sum3A_148 = vector.multi_reduction <add>, %mul3A_146, %reduce_sum3A_147 [1] : vector<256x128xf32> to vector<256xf32>
    %broadcast_in_dim3A_149 = vector.shape_cast %reduce_sum3A_148 : vector<256xf32> to vector<256x1xf32>
    %sqrt3A_150 = math.sqrt %broadcast_in_dim3A_149 : vector<256x1xf32>
    %jit3A_151 = arith.constant 1.000000e-15 : f32
    %max3A_152 = vector.broadcast %jit3A_151 : f32 to vector<256x1xf32>
    %max3A_153 = arith.maximumf %max3A_152, %sqrt3A_150 : vector<256x1xf32>
    %div3A_154 = arith.divf %max3A_153, %max3A_144 : vector<256x1xf32>
    %jit3A_155 = arith.constant -0.99999988 : f32
    %jit3A_156 = arith.constant 0.99999988 : f32
    %max3A_157 = vector.broadcast %jit3A_155 : f32 to vector<256x1xf32>
    %max3A_158 = arith.maximumf %max3A_157, %max3A_144 : vector<256x1xf32>
    %min3A_159 = vector.broadcast %jit3A_156 : f32 to vector<256x1xf32>
    %min3A_160 = arith.minimumf %min3A_159, %max3A_158 : vector<256x1xf32>
    %log1p3A_161 = math.log1p %min3A_160 : vector<256x1xf32>
    %neg3A_162 = arith.constant 0.000000e+00 : f32
    %neg3A_163 = vector.broadcast %neg3A_162 : f32 to vector<256x1xf32>
    %neg3A_164 = arith.subf %neg3A_163, %min3A_160 : vector<256x1xf32>
    %log1p3A_165 = math.log1p %neg3A_164 : vector<256x1xf32>
    %sub3A_166 = arith.subf %log1p3A_161, %log1p3A_165 : vector<256x1xf32>
    %mul3A_167 = arith.constant 5.000000e-01 : f32
    %mul3A_168 = vector.broadcast %mul3A_167 : f32 to vector<256x1xf32>
    %mul3A_169 = arith.mulf %mul3A_168, %sub3A_166 : vector<256x1xf32>
    %mul3A_170 = arith.mulf %div3A_154, %mul3A_169 : vector<256x1xf32>
    %tanh3A_171 = math.tanh %mul3A_170 : vector<256x1xf32>
    %mul3A_172 = vector.broadcast %tanh3A_171 : vector<256x1xf32> to vector<256x128xf32>
    %mul3A_173 = arith.mulf %mul3A_172, %dot_general3A_145 : vector<256x128xf32>
    %div3A_174 = vector.broadcast %max3A_153 : vector<256x1xf32> to vector<256x128xf32>
    %div3A_175 = arith.divf %mul3A_173, %div3A_174 : vector<256x128xf32>
    %abs3A = math.absf %dot_general3A_145 : vector<256x128xf32>
    %reduce_max3A = arith.constant dense<0xFF800000> : vector<256xf32>
    %reduce_max3A_176 = vector.multi_reduction <maximumf>, %abs3A, %reduce_max3A [1] : vector<256x128xf32> to vector<256xf32>
    %broadcast_in_dim3A_177 = vector.shape_cast %reduce_max3A_176 : vector<256xf32> to vector<256x1xf32>
    %eq3A = arith.constant 0.000000e+00 : f32
    %eq3A_178 = vector.broadcast %eq3A : f32 to vector<256x1xf32>
    %eq3A_179 = arith.cmpf oeq, %broadcast_in_dim3A_177, %eq3A_178 : vector<256x1xf32>
    %jit3A_180 = arith.constant 0.000000e+00 : f32
    %broadcast_in_dim3A_181 = vector.shape_cast %eq3A_179 : vector<256x1xi1> to vector<256x1xi1>
    %broadcast_in_dim3A_182 = vector.broadcast %broadcast_in_dim3A_181 : vector<256x1xi1> to vector<256x128xi1>
    %broadcast_in_dim3A_183 = vector.broadcast %jit3A_180 : f32 to vector<256x128xf32>
    %select_n3A_184 = arith.select %broadcast_in_dim3A_182, %broadcast_in_dim3A_183, %div3A_175 : vector<256x128xi1>, vector<256x128xf32>
    %mul3A_185 = arith.mulf %select_n3A_184, %select_n3A_184 : vector<256x128xf32>
    %reduce_sum3A_186 = arith.constant dense<0.000000e+00> : vector<256xf32>
    %reduce_sum3A_187 = vector.multi_reduction <add>, %mul3A_185, %reduce_sum3A_186 [1] : vector<256x128xf32> to vector<256xf32>
    %broadcast_in_dim3A_188 = vector.shape_cast %reduce_sum3A_187 : vector<256xf32> to vector<256x1xf32>
    %sqrt3A_189 = math.sqrt %broadcast_in_dim3A_188 : vector<256x1xf32>
    %jit3A_190 = arith.constant 1.000000e-15 : f32
    %max3A_191 = vector.broadcast %jit3A_190 : f32 to vector<256x1xf32>
    %max3A_192 = arith.maximumf %max3A_191, %sqrt3A_189 : vector<256x1xf32>
    %gt3A_193 = arith.constant 0.995999991 : f32
    %gt3A_194 = vector.broadcast %gt3A_193 : f32 to vector<256x1xf32>
    %gt3A_195 = arith.cmpf ogt, %max3A_192, %gt3A_194 : vector<256x1xf32>
    %div3A_196 = vector.broadcast %max3A_192 : vector<256x1xf32> to vector<256x128xf32>
    %div3A_197 = arith.divf %select_n3A_184, %div3A_196 : vector<256x128xf32>
    %mul3A_198 = arith.constant 0.995999991 : f32
    %mul3A_199 = vector.broadcast %mul3A_198 : f32 to vector<256x128xf32>
    %mul3A_200 = arith.mulf %div3A_197, %mul3A_199 : vector<256x128xf32>
    %broadcast_in_dim3A_201 = vector.shape_cast %gt3A_195 : vector<256x1xi1> to vector<256x1xi1>
    %broadcast_in_dim3A_202 = vector.broadcast %broadcast_in_dim3A_201 : vector<256x1xi1> to vector<256x128xi1>
    %select_n3A_203 = arith.select %broadcast_in_dim3A_202, %mul3A_200, %select_n3A_184 : vector<256x128xi1>, vector<256x128xf32>
    %mul3A_204 = arith.mulf %select_n3A_203, %select_n3A_203 : vector<256x128xf32>
    %reduce_sum3A_205 = arith.constant dense<0.000000e+00> : vector<256xf32>
    %reduce_sum3A_206 = vector.multi_reduction <add>, %mul3A_204, %reduce_sum3A_205 [1] : vector<256x128xf32> to vector<256xf32>
    %broadcast_in_dim3A_207 = vector.shape_cast %reduce_sum3A_206 : vector<256xf32> to vector<256x1xf32>
    %mul3A_208 = arith.mulf %select_n3A_136, %select_n3A_136 : vector<1x128xf32>
    %reduce_sum3A_209 = arith.constant dense<0.000000e+00> : vector<1xf32>
    %reduce_sum3A_210 = vector.multi_reduction <add>, %mul3A_208, %reduce_sum3A_209 [1] : vector<1x128xf32> to vector<1xf32>
    %broadcast_in_dim3A_211 = vector.shape_cast %reduce_sum3A_210 : vector<1xf32> to vector<1x1xf32>
    %mul3A_212 = vector.broadcast %select_n3A_136 : vector<1x128xf32> to vector<256x128xf32>
    %mul3A_213 = arith.mulf %select_n3A_203, %mul3A_212 : vector<256x128xf32>
    %reduce_sum3A_214 = arith.constant dense<0.000000e+00> : vector<256xf32>
    %reduce_sum3A_215 = vector.multi_reduction <add>, %mul3A_213, %reduce_sum3A_214 [1] : vector<256x128xf32> to vector<256xf32>
    %broadcast_in_dim3A_216 = vector.shape_cast %reduce_sum3A_215 : vector<256xf32> to vector<256x1xf32>
    %mul3A_217 = arith.constant 2.000000e+00 : f32
    %mul3A_218 = vector.broadcast %mul3A_217 : f32 to vector<256x1xf32>
    %mul3A_219 = arith.mulf %mul3A_218, %broadcast_in_dim3A_216 : vector<256x1xf32>
    %add3A_220 = arith.constant 1.000000e+00 : f32
    %add3A_221 = vector.broadcast %add3A_220 : f32 to vector<256x1xf32>
    %add3A_222 = arith.addf %add3A_221, %mul3A_219 : vector<256x1xf32>
    %add3A_223 = vector.broadcast %broadcast_in_dim3A_211 : vector<1x1xf32> to vector<256x1xf32>
    %add3A_224 = arith.addf %add3A_222, %add3A_223 : vector<256x1xf32>
    %mul3A_225 = vector.broadcast %add3A_224 : vector<256x1xf32> to vector<256x128xf32>
    %mul3A_226 = arith.mulf %mul3A_225, %select_n3A_203 : vector<256x128xf32>
    %sub3A_227 = arith.constant 1.000000e+00 : f32
    %sub3A_228 = vector.broadcast %sub3A_227 : f32 to vector<256x1xf32>
    %sub3A_229 = arith.subf %sub3A_228, %broadcast_in_dim3A_207 : vector<256x1xf32>
    %mul3A_230 = vector.broadcast %sub3A_229 : vector<256x1xf32> to vector<256x128xf32>
    %mul3A_231 = vector.broadcast %select_n3A_136 : vector<1x128xf32> to vector<256x128xf32>
    %mul3A_232 = arith.mulf %mul3A_230, %mul3A_231 : vector<256x128xf32>
    %add3A_233 = arith.addf %mul3A_226, %mul3A_232 : vector<256x128xf32>
    %mul3A_234 = arith.constant 2.000000e+00 : f32
    %mul3A_235 = vector.broadcast %mul3A_234 : f32 to vector<256x1xf32>
    %mul3A_236 = arith.mulf %mul3A_235, %broadcast_in_dim3A_216 : vector<256x1xf32>
    %add3A_237 = arith.constant 1.000000e+00 : f32
    %add3A_238 = vector.broadcast %add3A_237 : f32 to vector<256x1xf32>
    %add3A_239 = arith.addf %add3A_238, %mul3A_236 : vector<256x1xf32>
    %mul3A_240 = vector.broadcast %broadcast_in_dim3A_211 : vector<1x1xf32> to vector<256x1xf32>
    %mul3A_241 = arith.mulf %broadcast_in_dim3A_207, %mul3A_240 : vector<256x1xf32>
    %add3A_242 = arith.addf %add3A_239, %mul3A_241 : vector<256x1xf32>
    %jit3A_243 = arith.constant 1.000000e-15 : f32
    %max3A_244 = vector.broadcast %jit3A_243 : f32 to vector<256x1xf32>
    %max3A_245 = arith.maximumf %max3A_244, %add3A_242 : vector<256x1xf32>
    %div3A_246 = vector.broadcast %max3A_245 : vector<256x1xf32> to vector<256x128xf32>
    %div3A_247 = arith.divf %add3A_233, %div3A_246 : vector<256x128xf32>
    %mul3A_248 = arith.mulf %div3A_247, %div3A_247 : vector<256x128xf32>
    %reduce_sum3A_249 = arith.constant dense<0.000000e+00> : vector<256xf32>
    %reduce_sum3A_250 = vector.multi_reduction <add>, %mul3A_248, %reduce_sum3A_249 [1] : vector<256x128xf32> to vector<256xf32>
    %broadcast_in_dim3A_251 = vector.shape_cast %reduce_sum3A_250 : vector<256xf32> to vector<256x1xf32>
    %sqrt3A_252 = math.sqrt %broadcast_in_dim3A_251 : vector<256x1xf32>
    %jit3A_253 = arith.constant 1.000000e-15 : f32
    %max3A_254 = vector.broadcast %jit3A_253 : f32 to vector<256x1xf32>
    %max3A_255 = arith.maximumf %max3A_254, %sqrt3A_252 : vector<256x1xf32>
    %gt3A_256 = arith.constant 0.995999991 : f32
    %gt3A_257 = vector.broadcast %gt3A_256 : f32 to vector<256x1xf32>
    %gt3A_258 = arith.cmpf ogt, %max3A_255, %gt3A_257 : vector<256x1xf32>
    %div3A_259 = vector.broadcast %max3A_255 : vector<256x1xf32> to vector<256x128xf32>
    %div3A_260 = arith.divf %div3A_247, %div3A_259 : vector<256x128xf32>
    %mul3A_261 = arith.constant 0.995999991 : f32
    %mul3A_262 = vector.broadcast %mul3A_261 : f32 to vector<256x128xf32>
    %mul3A_263 = arith.mulf %div3A_260, %mul3A_262 : vector<256x128xf32>
    %broadcast_in_dim3A_264 = vector.shape_cast %gt3A_258 : vector<256x1xi1> to vector<256x1xi1>
    %broadcast_in_dim3A_265 = vector.broadcast %broadcast_in_dim3A_264 : vector<256x1xi1> to vector<256x128xi1>
    %select_n3A_266 = arith.select %broadcast_in_dim3A_265, %mul3A_263, %div3A_247 : vector<256x128xi1>, vector<256x128xf32>
    %mul3A_267 = arith.mulf %select_n3A_266, %select_n3A_266 : vector<256x128xf32>
    %reduce_sum3A_268 = arith.constant dense<0.000000e+00> : vector<256xf32>
    %reduce_sum3A_269 = vector.multi_reduction <add>, %mul3A_267, %reduce_sum3A_268 [1] : vector<256x128xf32> to vector<256xf32>
    %broadcast_in_dim3A_270 = vector.shape_cast %reduce_sum3A_269 : vector<256xf32> to vector<256x1xf32>
    %sqrt3A_271 = math.sqrt %broadcast_in_dim3A_270 : vector<256x1xf32>
    %jit3A_272 = arith.constant 1.000000e-15 : f32
    %max3A_273 = vector.broadcast %jit3A_272 : f32 to vector<256x1xf32>
    %max3A_274 = arith.maximumf %max3A_273, %sqrt3A_271 : vector<256x1xf32>
    %div3A_275 = vector.broadcast %max3A_274 : vector<256x1xf32> to vector<256x128xf32>
    %div3A_276 = arith.divf %select_n3A_266, %div3A_275 : vector<256x128xf32>
    %jit3A_277 = arith.constant -0.99999988 : f32
    %jit3A_278 = arith.constant 0.99999988 : f32
    %max3A_279 = vector.broadcast %jit3A_277 : f32 to vector<256x1xf32>
    %max3A_280 = arith.maximumf %max3A_279, %max3A_274 : vector<256x1xf32>
    %min3A_281 = vector.broadcast %jit3A_278 : f32 to vector<256x1xf32>
    %min3A_282 = arith.minimumf %min3A_281, %max3A_280 : vector<256x1xf32>
    %log1p3A_283 = math.log1p %min3A_282 : vector<256x1xf32>
    %neg3A_284 = arith.constant 0.000000e+00 : f32
    %neg3A_285 = vector.broadcast %neg3A_284 : f32 to vector<256x1xf32>
    %neg3A_286 = arith.subf %neg3A_285, %min3A_282 : vector<256x1xf32>
    %log1p3A_287 = math.log1p %neg3A_286 : vector<256x1xf32>
    %sub3A_288 = arith.subf %log1p3A_283, %log1p3A_287 : vector<256x1xf32>
    %mul3A_289 = arith.constant 5.000000e-01 : f32
    %mul3A_290 = vector.broadcast %mul3A_289 : f32 to vector<256x1xf32>
    %mul3A_291 = arith.mulf %mul3A_290, %sub3A_288 : vector<256x1xf32>
    %mul3A_292 = vector.broadcast %mul3A_291 : vector<256x1xf32> to vector<256x128xf32>
    %mul3A_293 = arith.mulf %div3A_276, %mul3A_292 : vector<256x128xf32>
    %get3A_294 = arith.constant 0 : index
    %get3A_295 = arith.constant 0 : index
    %get3A_296 = vector.load %arg3[%get3A_294, %get3A_295] : memref<256x128xf32, #tpu.memory_space<vmem>>, vector<256x128xf32>
    %reduce_sum3A_297 = arith.constant dense<0.000000e+00> : vector<256xf32>
    %reduce_sum3A_298 = vector.multi_reduction <add>, %get3A_296, %reduce_sum3A_297 [1] : vector<256x128xf32> to vector<256xf32>
    %broadcast_in_dim3A_299 = vector.shape_cast %reduce_sum3A_298 : vector<256xf32> to vector<256x1xf32>
    %mul3A_300 = arith.constant 7.812500e-03 : f32
    %mul3A_301 = vector.broadcast %mul3A_300 : f32 to vector<256x1xf32>
    %mul3A_302 = arith.mulf %broadcast_in_dim3A_299, %mul3A_301 : vector<256x1xf32>
    %jit3A_303 = arith.constant 1.000000e+00 : f32
    %max3A_304 = vector.broadcast %jit3A_303 : f32 to vector<256x1xf32>
    %max3A_305 = arith.maximumf %max3A_304, %mul3A_302 : vector<256x1xf32>
    %rsqrt3A_306 = math.rsqrt %max3A_305 : vector<256x1xf32>
    %mul3A_307 = vector.broadcast %rsqrt3A_306 : vector<256x1xf32> to vector<256x128xf32>
    %mul3A_308 = arith.mulf %mul3A_293, %mul3A_307 : vector<256x128xf32>
    %swap3A = arith.constant 0 : index
    %swap3A_309 = arith.constant 0 : index
    %swap3A_310 = vector.load %arg6[%swap3A, %swap3A_309] : memref<256x128xf32, #tpu.memory_space<vmem>>, vector<256x128xf32>
    tpu.vector_store %arg6[%swap3A, %swap3A_309], %mul3A_308 {strides = array<i32>} : memref<256x128xf32, #tpu.memory_space<vmem>>, vector<256x128xf32>,
    return
  }
  func.func @transform_0(%arg0: i32) -> (i32, i32, i32) {
    %c0_i32 = arith.constant 0 : i32
    %c0_i32_0 = arith.constant 0 : i32
    %c0_i32_1 = arith.constant 0 : i32
    return %c0_i32, %arg0, %c0_i32_0 : i32, i32, i32
  }
  func.func @transform_1(%arg0: i32) -> (i32, i32) {
    %c0_i32 = arith.constant 0 : i32
    %c0_i32_0 = arith.constant 0 : i32
    return %arg0, %c0_i32 : i32, i32
  }
  func.func @transform_2(%arg0: i32) -> (i32, i32) {
    %c0_i32 = arith.constant 0 : i32
    %c0_i32_0 = arith.constant 0 : i32
    return %arg0, %c0_i32 : i32, i32
  }
  func.func @transform_3(%arg0: i32) -> (i32, i32) {
    %c0_i32 = arith.constant 0 : i32
    %c0_i32_0 = arith.constant 0 : i32
    %c0_i32_1 = arith.constant 0 : i32
    return %c0_i32, %c0_i32_0 : i32, i32
  }
  func.func @transform_4(%arg0: i32) -> (i32, i32) {
    %c0_i32 = arith.constant 0 : i32
    %c0_i32_0 = arith.constant 0 : i32
    %c0_i32_1 = arith.constant 0 : i32
    return %c0_i32, %c0_i32_0 : i32, i32
  }
  func.func @transform_5(%arg0: i32) -> (i32, i32) {
    %c0_i32 = arith.constant 0 : i32
    %c0_i32_0 = arith.constant 0 : i32
    return %arg0, %c0_i32 : i32, i32
  }
}

</mosaic_0001>

<sc_bundles>
// kernel: kernel.12.cloned.1.call-start
scs
__scs_entry_jumppad:
0x0: {  	(pc) =	sbr.rel $0x88, $3  }
0x1: {  	(tag) =	ssettag $0x0;
	lr =	simm.s32 $0x1  }
0x2: {  	[smem:$0x3F9B] =	sst lr;
	_ =	strace $0xD0000000  }
0x3: {  	_ = 	snop  }
0x4: {  	_ = 	snop  }
0x5: {  	_ = 	snop  }
0x6: {  	_ = 	snop  }
0x7: {  	_ = 	snop  }
__scs_overlays_trampoline_lowered:
0x8: {  	[smem:$0x3FAA] =	sst s0  }
0x9: {  	[smem:$0x3FAB] =	sst s1  }
0xa: {  	[smem:$0x3FAC] =	sst s2  }
0xb: {  	[smem:$0x3FAD] =	sst s3  }
0xc: {  	[smem:$0x3FAE] =	sst s4  }
0xd: {  	[smem:$0x3FAF] =	sst s5  }
0xe: {  	[smem:$0x3FB0] =	sst s6  }
0xf: {  	[smem:$0x3FB1] =	sst s7  }
0x10: {  	[smem:$0x3FB2] =	sst s8  }
0x11: {  	[smem:$0x3FB3] =	sst s9;
	s0 =	simm.s32 @!p0 $0x0  }
0x12: {  	s1 =	sld [smem:$0x3F99];
	s0 =	simm.s32 @p0 $0x1  }
0x13: {  	[smem:$0x3FB4] =	sst s0;
	s0 =	simm.s32 @!p1 $0x0  }
0x14: {  	s2 =	sld [smem:$0x3F98];
	s0 =	simm.s32 @p1 $0x1  }
0x15: {  	[smem:$0x3FB5] =	sst s0;
	s0 =	simm.s32 @!p2 $0x0  }
0x16: {  	s3 =	sld [smem:$0x3FDB];
	s0 =	simm.s32 @p2 $0x1  }
0x17: {  	s4 =	simm.s32 $0x1BF5;
	[smem:$0x3FB7] =	sst s0  }
0x18: {  	s0 =	sld [smem:$0x3F9A];
	_ =	swait.ge [sflag:s4], $0x0  }
0x19: {  	s7 =	sld [smem:$0x3F9B]  }
0x1a: {  	s8 =	sadd.s32 $0xFFFFE003, lr  }
0x1b: {  	s9 =	sadd.s32 $0xFFFFFEF7, lr;
	s5 =	simm.s32 $0xFFFFFFFF;
	p2 =	slt.u32 s8, $0xFFFFF086  }
0x1c: {  	p1 =	slt.u32 s9, $0xF7A;
	s5 =	simm.s32 @!p2 $0x0  }
0x1d: {  	s5 =	simm.s32 @p1 $0x1;
	p0 =	seq.s32 s7, s2  }
0x1e: {  	s7 =	smul.u32 @!p0 $0xF7A, s2;
	p2 =	seq.s32 @!p0 s5, $0x0  }
0x1f: {  	s9 =	smul.u32 $0xF7A, s1;
	s8 =	simm.s32 @!p0 $0x1BF5;
	p2 =	por !p2, p0  }
0x20: {  	[sflag:s8] =	ssyncset.s32 @!p0 $0xFFFFF086;
	s6 =	sadd.s32 @!p0 s3, s7;
	s7 =	simm.s32 @!p0 $0x108  }
0x21: {  	s3 =	sadd.s32 s3, s9;
	s6 =	sadd.s32 @!p0 $0x88, s6;
	s7 =	simm.s32 @p2 $0x1082  }
0x22: {  	[simem:s7], [sflag:s8] =	dma.local @!p0 [hbm:s6], $0xF7A  }
0x23: {  	s9 =	sor.u32 $0xD0000000, s2;
	s6 =	simm.s32 $0x108;
	_ =	swait.ge @!p0 [sflag:s8], $0x0  }
0x24: {  	s3 =	sadd.s32 $0x88, s3;
	s6 =	simm.s32 @!p1 $0x1082;
	[sflag:s4] =	ssyncset.s32 $0xFFFFF086  }
0x25: {  	[simem:s6], [sflag:s4] =	dma.local [hbm:s3], $0xF7A  }
0x26: {  	[smem:$0x3F9B] =	sst s1;
	(tag) =	ssettag s2;
	_ =	strace s9  }
0x27: {  	s1 =	sld [smem:$0x3FAB]  }
0x28: {  	s2 =	sld [smem:$0x3FAC]  }
0x29: {  	s4 =	sld [smem:$0x3FAE]  }
0x2a: {  	p0 =	seq.s32 s5, $0x0;
	s5 =	sld [smem:$0x3FAF]  }
0x2b: {  	s6 =	sld [smem:$0x3FB0]  }
0x2c: {  	s7 =	sld [smem:$0x3FB1]  }
0x2d: {  	s3 =	simm.s32 $0x108;
	s8 =	sld [smem:$0x3FB2]  }
0x2e: {  	s3 =	simm.s32 @!p0 $0x1082;
	s9 =	sld [smem:$0x3FB3]  }
0x2f: {  	lr =	sadd.s32 s0, s3;
	s0 =	sld [smem:$0x3FAA]  }
0x30: {  	s3 =	sld [smem:$0x3FAD]  }
0x31: {  	[smem:$0x3FB6] =	sst s10  }
0x32: {  	s10 =	sld [smem:$0x3FB4];
	_ =	sdelay $0x3  }
0x33: {  	p0 =	seq.s32 s10, $0x1;
	s10 =	sld [smem:$0x3FB6];
	_ =	sdelay $0x3  }
0x34: {  	[smem:$0x3FB6] =	sst s10  }
0x35: {  	s10 =	sld [smem:$0x3FB5];
	_ =	sdelay $0x3  }
0x36: {  	p1 =	seq.s32 s10, $0x1;
	s10 =	sld [smem:$0x3FB6];
	_ =	sdelay $0x3  }
0x37: {  	[smem:$0x3FB6] =	sst s10  }
0x38: {  	s10 =	sld [smem:$0x3FB7]  }
0x39: {  	_ = 	snop;
	(pc) =	sbr.ind lr, $3  }
0x3a: {  	_ = 	snop  }
0x3b: {  	_ = 	snop  }
0x3c: {  	p2 =	seq.s32 s10, $0x1;
	s10 =	sld [smem:$0x3FB6]  }
0x3d: {  	_ =	shalt  }
0x3e: {  	_ =	shalt  }
0x3f: {  	_ =	shalt  }
0x40: {  	_ =	shalt  }
0x41: {  	_ =	shalt  }
0x42: {  	_ =	shalt  }
0x43: {  	_ =	shalt  }
0x44: {  	_ =	shalt  }
0x45: {  	_ =	shalt  }
0x46: {  	_ =	shalt  }
0x47: {  	_ =	shalt  }
0x48: {  	_ =	shalt  }
0x49: {  	_ =	shalt  }
0x4a: {  	_ =	shalt  }
0x4b: {  	_ =	shalt  }
0x4c: {  	_ =	shalt  }
0x4d: {  	_ =	shalt  }
0x4e: {  	_ =	shalt  }
0x4f: {  	_ =	shalt  }
0x50: {  	_ =	shalt  }
0x51: {  	_ =	shalt  }
0x52: {  	_ =	shalt  }
0x53: {  	_ =	shalt  }
0x54: {  	_ =	shalt  }
0x55: {  	_ =	shalt  }
0x56: {  	_ =	shalt  }
0x57: {  	_ =	shalt  }
0x58: {  	_ =	shalt  }
0x59: {  	_ =	shalt  }
0x5a: {  	_ =	shalt  }
0x5b: {  	_ =	shalt  }
0x5c: {  	_ =	shalt  }
0x5d: {  	_ =	shalt  }
0x5e: {  	_ =	shalt  }
0x5f: {  	_ =	shalt  }
0x60: {  	_ =	shalt  }
0x61: {  	_ =	shalt  }
0x62: {  	_ =	shalt  }
0x63: {  	_ =	shalt  }
0x64: {  	_ =	shalt  }
0x65: {  	_ =	shalt  }
0x66: {  	_ =	shalt  }
0x67: {  	_ =	shalt  }
0x68: {  	_ =	shalt  }
0x69: {  	_ =	shalt  }
0x6a: {  	_ =	shalt  }
0x6b: {  	_ =	shalt  }
0x6c: {  	_ =	shalt  }
0x6d: {  	_ =	shalt  }
0x6e: {  	_ =	shalt  }
0x6f: {  	_ =	shalt  }
0x70: {  	_ =	shalt  }
0x71: {  	_ =	shalt  }
0x72: {  	_ =	shalt  }
0x73: {  	_ =	shalt  }
0x74: {  	_ =	shalt  }
0x75: {  	_ =	shalt  }
0x76: {  	_ =	shalt  }
0x77: {  	_ =	shalt  }
0x78: {  	_ =	shalt  }
0x79: {  	_ =	shalt  }
0x7a: {  	_ =	shalt  }
0x7b: {  	_ =	shalt  }
0x7c: {  	_ =	shalt  }
0x7d: {  	_ =	shalt  }
0x7e: {  	_ =	shalt  }
0x7f: {  	_ =	shalt  }
0x80: {  	_ =	shalt  }
0x81: {  	_ =	shalt  }
0x82: {  	_ =	shalt  }
0x83: {  	_ =	shalt  }
0x84: {  	_ =	shalt  }
0x85: {  	_ =	shalt  }
0x86: {  	_ =	shalt  }
0x87: {  	_ =	shalt  }
.Lfunc_end0:
.L_simem_size_0:
called_computation.1_lowered:
.L_overlay_start_0:
0x88: {  	s2 =	sld [smem:$0x3FD9]  }
0x89: {  	s3 =	sld [smem:$0x3FFE];
	_ =	sdelay $0x1  }
0x8a: {  	s1 =	srdreg.scid  }
0x8b: {  	s0 =	sand.u32 $0x1, s1  }
0x8c: {  	s16 =	sshll.u32 s0, $0xA;
	s2 =	sadd.s32 s3, s2  }
0x8d: {  	s2 =	sadd.s32 s2, s16  }
0x8e: {  	[smem:$0x3FC2] =	sst s2  }
0x8f: {  	_ = 	snop  }
0x90: {  	(tm) =	ssettm $0x1  }
0x91: {  	s17 =	sld [smem:$0x3FFB];
	_ =	sdelay $0x3  }
0x92: {  	_ =	strace s17  }
0x93: {  	s2 =	sld [smem:$0x3FFC];
	_ =	sdelay $0x3  }
0x94: {  	_ =	strace s2  }
0x95: {  	s2 =	sld [smem:$0x3FFD];
	_ =	sdelay $0x3  }
0x96: {  	_ =	strace s2  }
0x97: {  	_ =	strace $0x8FFFFFFF  }
0x98: {  	s18 =	sld [smem:$0x3FDB];
	_ =	sdelay $0x1  }
0x99: {  	s19 =	simm.s32 $_scs_section_size  }
0x9a: {  	s4 =	simm.s32 $_size__tile_overlayer_lowered;
	s5 =	simm.s32 $_tile_overlayer_lowered  }
0x9b: {  	s22 =	simm.s32 $0x1BFF;
	s21 =	sshll.u32 s5, $0x1;
	s2 =	sadd.s32 s19, s18  }
0x9c: {  	s6 =	simm.s32 $0x0;
	s20 =	sshll.u32 s4, $0x1;
	s4 =	sadd.s32 s21, s2  }
0x9d: {  	[timem:s6], [sflag:s22] =	dma.local [hbm:s4], s20  }
0x9e: {  	_ =	swait.ge [sflag:s22], s20  }
0x9f: {  	s3 =	ssub.s32 $0x0, s20;
	[sflag:s22] =	ssyncset.done $0x0  }
0xa0: {  	[sflag:s22] =	ssyncadd.s32 s3;
	_ =	sdelay $0x1  }
0xa1: {  	s23 =	simm.s32 $0x1B8B  }
0xa2: {  	_ =	swait.ge [sflag:s23], $0x1  }
0xa3: {  	[sflag:s23] =	ssyncset.done $0x0  }
0xa4: {  	s25 =	simm.s32 $0x1B8E;
	s24 =	sld [smem:$0x3FFE];
	[sflag:s23] =	ssyncadd.s32 $0xFFFFFFFF  }
0xa5: {  	s26 =	simm.s32 $execute0_lowered;
	[smem:$0x3FD2] =	sst s25  }
0xa6: {  	s4 =	sshll.u32 s26, $0x1;
	_ =	strace $0x80000049;
	[dreg:$0x1] =	wrdreg $0xFFFFFFFF  }
0xa7: {  	s28 =	simm.s32 $_size_execute0_lowered;
	s2 =	sadd.s32 s2, s4;
	[dreg:$0x0] =	wrdreg $0x0  }
0xa8: {  	s4 =	sshll.u32 s28, $0x1;
	[dreg:$0x2] =	wrdreg s2  }
0xa9: {  	[dreg:$0x3] =	wrdreg s4  }
0xaa: {  	[dreg:$0x4] =	wrdreg $0xC0  }
0xab: {  	_ =	task [dreg:s6], $0x5FFFF  }
0xac: {  	[dreg:$0x1] =	wrdreg $0xFFFFFFFF  }
0xad: {  	[dreg:$0x0] =	wrdreg $0x60  }
0xae: {  	[dreg:$0x2] =	wrdreg s24  }
0xaf: {  	[dreg:$0x3] =	wrdreg $0xA9000  }
0xb0: {  	[dreg:$0x4] =	wrdreg $0x9  }
0xb1: {  	_ =	task.clear_ibuf [dreg:s6], $0x5FFFF;
	_ =	strace $0x90000049  }
0xb2: {  	s29 =	simm.s32 $0x9;
	_ =	strace $0x8000004B  }
0xb3: {  	_ =	swait.ge [sflag:s29], $0x1  }
0xb4: {  	[sflag:s29] =	ssyncadd.s32 $0xFFFFFFFF  }
0xb5: {  	_ =	strace $0x9000004B  }
0xb6: {  	_ =	sfence  }
0xb7: {  	s30 =	sld [smem:$0x0];
	_ =	sdelay $0x2  }
0xb8: {  	s31 =	sshll.u32 s1, $0xD;
	s1 =	sshrl.u32 s1, $0x2  }
0xb9: {  	s3 =	sand.u32 $0x4000, s31;
	s1 =	sadd.s32 s1, s30  }
0xba: {  	s0 =	sor.u32 s3, s0;
	s1 =	sshll.u32 s1, $0x11  }
0xbb: {  	s0 =	sor.u32 s1, s0  }
0xbc: {  	s0 =	sadd.s32 $0x8F2B, s0  }
0xbd: {  	[sflag:s0] =	ssyncadd.remote.s32 $0x1  }
0xbe: {  	_ =	sfence.sel $0xFFFF  }
0xbf: {  	[dreg:$0x0] =	wrdreg $0xFFFFFFFF;
	(pc) =	sbr.abs _section_cstart, $3  }
0xc0: {  	[dreg:$0x1] =	wrdreg $0xFFFFFFFF  }
0xc1: {  	_ =	task.clear_ibuf [dreg:s6], $0x2FFFF;
	_ =	strace $0x9FFFFFFF  }
0xc2: {  	(tm) =	ssettm $0x7FFFFFFF  }
0xc3: {  	_ =	shalt  }
tec
execute0_lowered:
.L_overlay_start_1:
0x0: {  	(tag) =	ssettag $0x1  }
0x1: {  	s0 =	srdreg.scid;
	s6 =	rddreg [dreg:$0x0]  }
0x2: {  	s2 =	rddreg [dreg:$0x1];
	s1 =	stileid.u32  }
0x3: {  	s3 =	simm.s32 $0x0;
	s16 =	simm.s32 $0x80;
	s17 =	simm.s32 $0x2900  }
0x4: {  	s18 =	simm.s32 $0x6900;
	s19 =	simm.s32 $0x1;
	s20 =	simm.s32 $0x2800  }
0x5: {  	s21 =	simm.s32 $0x2;
	s22 =	simm.s32 $0x2880;
	s23 =	simm.s32 $0x3  }
0x6: {  	s24 =	simm.s32 $0x4;
	s5 =	sand.u32 $0x1, s0;
	s0 =	rddreg [dreg:$0x2]  }
0x7: {  	[smem:$0x7FF] =	sst s3;
	s8 =	smul.u32 $0x2800, s1;
	s12 =	sadd.s32 $0x55A00, s6  }
0x8: {  	s26 =	smul.u32 $0x50000, s1;
	s31 =	sshll.u32 s1, $0x6;
	s4 =	sshll.u32 s5, $0x4  }
0x9: {  	_ =	strace $0x8000004A;
	s9 =	smul.u32 $0x28000, s5;
	s11 =	ssub.s32 $0x2, s5  }
0xa: {  	s5 =	sadd.s32 $0x3200, s6;
	s4 =	sor.u32 s1, s4;
	s25 =	sshrl.u32 s11, $0x1  }
0xb: {  	s28 =	sshrl.u32 s26, $0x2;
	s7 =	smul.u32 $0x2800, s4;
	s4 =	sadd.s32 $0x5A00, s6  }
0xc: {  	s13 =	sadd.s32 s8, s9;
	s11 =	ssub.s32 s11, s25;
	s15 =	sadd.s32 s28, s2  }
0xd: {  	s25 =	simm.s32 $0x0;
	s14 =	sadd.s32 s13, s6;
	s29 =	sor.u32 $0x180, s13  }
0xe: {  	s13 =	sor.u32 $0x100, s13;
	s15 =	sshrl.u32 s15, $0x3;
	s7 =	sshrl.u32 s7, $0x3  }
0xf: {  	s9 =	sadd.s32 $0x69A00, s14;
	s30 =	sshrl.u32 s29, $0x3;
	s13 =	sshrl.u32 s13, $0x3  }
0x10: {  	s14 =	sor.u32 $0x1C05, s31;
	s10 =	sadd.s32 s7, s6;
	s7 =	sadd.s32 s12, s7  }
0x11: {  	s6 =	sadd.s32 $0x5FA00, s10;
	s8 =	sadd.s32 $0x10, s7;
	s10 =	smax.u32 s11, $0x1  }
0x12: {  	s11 =	sadd.s32 s30, s12;
	s12 =	sadd.s32 s13, s12;
	s13 =	simm.s32 $0x5  }
.LBB2_1:
0x13: {  	[tilespmem:s3], [sflag:$0x5] =	stream.linear.gather [hbm4b:s6+s3], $0x2800, $0x38;
	[tilespmem:$0x1E900] =	vst v63  }
0x14: {  	_ =	swait.ge [sflag:s13], $0x2800  }
0x15: {  	[sflag:s13] =	ssyncset.done $0x0  }
0x16: {  	[sflag:s13] =	ssyncadd.s32 $0xFFFFD800  }
0x17: {  	[spmem:s15], [sflag:s14] =	dma.local [hbm:s5], $0x2800  }
0x18: {  	_ =	swait.ge [sflag:s13], $0x2800  }
0x19: {  	[sflag:s13] =	ssyncset.done $0x0  }
0x1a: {  	[sflag:s13] =	ssyncadd.s32 $0xFFFFD800  }
0x1b: {  	[bflag:$0x0] =	sbarrier.arrive $0xFFFF  }
0x1c: {  	[tilespmem:s17], [sflag:$0x1] =	stream.indirect.gather [hbm4b:s4+s16], $0x80, s3, s16, $0xb8;
	[tilespmem:$0x1E900] =	vst v63  }
0x1d: {  	_ = 	snop  }
0x1e: {  	[tilespmem:s18], [sflag:$0x2] =	stream.indirect.gather [hbm4b:s4+s16], $0x80, s16, s16, $0xb8;
	[tilespmem:$0x1E900] =	vst v63  }
0x1f: {  	_ =	swait.ge [sflag:s19], $0x4000  }
0x20: {  	[sflag:s19] =	ssyncset.done $0x0  }
0x21: {  	[sflag:s19] =	ssyncadd.s32 $0xFFFFC000  }
0x22: {  	[tilespmem:s20], [sflag:$0x5] =	stream.linear.gather [hbm4b:s7+s3], $0x80, $0x38;
	[tilespmem:$0x1E900] =	vst v63  }
0x23: {  	_ =	swait.ge [sflag:s13], $0x80  }
0x24: {  	[sflag:s13] =	ssyncset.done $0x0  }
0x25: {  	[sflag:s13] =	ssyncadd.s32 $0xFFFFFF80  }
0x26: {  	[spmem:s2] =	stream.indirect.scatter.add.f32 [tilespmem:s17], [sflag:$0x3], $0x80, s20, s16, $0xb8;
	[tilespmem:$0x1E900] =	vst v63  }
0x27: {  	_ =	swait.ge [sflag:s21], $0x4000  }
0x28: {  	[sflag:s21] =	ssyncset.done $0x0  }
0x29: {  	[sflag:s21] =	ssyncadd.s32 $0xFFFFC000  }
0x2a: {  	[tilespmem:s22], [sflag:$0x5] =	stream.linear.gather [hbm4b:s8+s3], $0x80, $0x38;
	[tilespmem:$0x1E900] =	vst v63  }
0x2b: {  	_ =	swait.ge [sflag:s13], $0x80  }
0x2c: {  	[sflag:s13] =	ssyncset.done $0x0  }
0x2d: {  	[sflag:s13] =	ssyncadd.s32 $0xFFFFFF80  }
0x2e: {  	[spmem:s2] =	stream.indirect.scatter.add.f32 [tilespmem:s18], [sflag:$0x4], $0x80, s22, s16, $0xb8;
	[tilespmem:$0x1E900] =	vst v63  }
0x2f: {  	_ =	swait.ge [sflag:s23], $0x4000  }
0x30: {  	[sflag:s23] =	ssyncset.done $0x0  }
0x31: {  	s26 =	simm.s32 $0x100;
	[sflag:s23] =	ssyncadd.s32 $0xFFFFC000  }
0x32: {  	[tilespmem:s17], [sflag:$0x1] =	stream.indirect.gather [hbm4b:s4+s16], $0x80, s26, s16, $0xb8;
	[tilespmem:$0x1E900] =	vst v63  }
0x33: {  	_ =	swait.ge [sflag:s24], $0x4000  }
0x34: {  	[sflag:s24] =	ssyncset.done $0x0  }
0x35: {  	s29 =	simm.s32 $0x180;
	[sflag:s24] =	ssyncadd.s32 $0xFFFFC000  }
0x36: {  	[tilespmem:s18], [sflag:$0x2] =	stream.indirect.gather [hbm4b:s4+s16], $0x80, s29, s16, $0xb8;
	[tilespmem:$0x1E900] =	vst v63  }
0x37: {  	_ =	swait.ge [sflag:s19], $0x4000  }
0x38: {  	[sflag:s19] =	ssyncset.done $0x0  }
0x39: {  	s30 =	sadd.s32 $0x0, s12;
	[sflag:s19] =	ssyncadd.s32 $0xFFFFC000  }
0x3a: {  	[tilespmem:s20], [sflag:$0x5] =	stream.linear.gather [hbm4b:s30+s3], $0x80, $0x38;
	[tilespmem:$0x1E900] =	vst v63  }
0x3b: {  	_ =	swait.ge [sflag:s13], $0x80  }
0x3c: {  	[sflag:s13] =	ssyncset.done $0x0  }
0x3d: {  	[sflag:s13] =	ssyncadd.s32 $0xFFFFFF80  }
0x3e: {  	[spmem:s2] =	stream.indirect.scatter.add.f32 [tilespmem:s17], [sflag:$0x3], $0x80, s20, s16, $0xb8;
	[tilespmem:$0x1E900] =	vst v63  }
0x3f: {  	_ =	swait.ge [sflag:s21], $0x4000  }
0x40: {  	[sflag:s21] =	ssyncset.done $0x0  }
0x41: {  	s31 =	sadd.s32 $0x0, s11;
	[sflag:s21] =	ssyncadd.s32 $0xFFFFC000  }
0x42: {  	[tilespmem:s22], [sflag:$0x5] =	stream.linear.gather [hbm4b:s31+s3], $0x80, $0x38;
	[tilespmem:$0x1E900] =	vst v63  }
0x43: {  	_ =	swait.ge [sflag:s13], $0x80  }
0x44: {  	[sflag:s13] =	ssyncset.done $0x0  }
0x45: {  	s28 =	simm.s32 $0x280;
	s26 =	simm.s32 $0x20;
	[sflag:s13] =	ssyncadd.s32 $0xFFFFFF80  }
.LBB2_2:
0x46: {  	[spmem:s2] =	stream.indirect.scatter.add.f32 [tilespmem:s18], [sflag:$0x4], $0x80, s22, s16, $0xb8;
	[tilespmem:$0x1E900] =	vst v63  }
0x47: {  	s29 =	smov.u32 s26  }
0x48: {  	p0 =	sne.s32 s26, $0x4C0;
	s26 =	sadd.s32 $0x20, s26;
	_ =	swait.ge [sflag:s23], $0x4000  }
0x49: {  	[sflag:s23] =	ssyncset.done $0x0  }
0x4a: {  	s30 =	sadd.s32 $0xFFFFFF80, s28;
	[sflag:s23] =	ssyncadd.s32 $0xFFFFC000  }
0x4b: {  	[tilespmem:s17], [sflag:$0x1] =	stream.indirect.gather [hbm4b:s4+s16], $0x80, s30, s16, $0xb8;
	[tilespmem:$0x1E900] =	vst v63  }
0x4c: {  	_ =	swait.ge [sflag:s24], $0x4000  }
0x4d: {  	[sflag:s24] =	ssyncset.done $0x0  }
0x4e: {  	[sflag:s24] =	ssyncadd.s32 $0xFFFFC000  }
0x4f: {  	[tilespmem:s18], [sflag:$0x2] =	stream.indirect.gather [hbm4b:s4+s16], $0x80, s28, s16, $0xb8;
	[tilespmem:$0x1E900] =	vst v63  }
0x50: {  	_ =	swait.ge [sflag:s19], $0x4000  }
0x51: {  	[sflag:s19] =	ssyncset.done $0x0  }
0x52: {  	s30 =	sadd.s32 s29, s12;
	[sflag:s19] =	ssyncadd.s32 $0xFFFFC000  }
0x53: {  	[tilespmem:s20], [sflag:$0x5] =	stream.linear.gather [hbm4b:s30+s3], $0x80, $0x38;
	[tilespmem:$0x1E900] =	vst v63  }
0x54: {  	_ =	swait.ge [sflag:s13], $0x80  }
0x55: {  	[sflag:s13] =	ssyncset.done $0x0  }
0x56: {  	[sflag:s13] =	ssyncadd.s32 $0xFFFFFF80  }
0x57: {  	[spmem:s2] =	stream.indirect.scatter.add.f32 [tilespmem:s17], [sflag:$0x3], $0x80, s20, s16, $0xb8;
	[tilespmem:$0x1E900] =	vst v63  }
0x58: {  	_ =	swait.ge [sflag:s21], $0x4000  }
0x59: {  	[sflag:s21] =	ssyncset.done $0x0  }
.Ltmp0:
0x5a: {  	s29 =	sadd.s32 s29, s11;
	[sflag:s21] =	ssyncadd.s32 $0xFFFFC000;
	(pc) =	sbr.rel @p0 .LBB2_2-.Ltmp0, $4  }
0x5b: {  	[tilespmem:s22], [sflag:$0x5] =	stream.linear.gather [hbm4b:s29+s3], $0x80, $0x38;
	[tilespmem:$0x1E900] =	vst v63  }
0x5c: {  	_ =	swait.ge [sflag:s13], $0x80  }
0x5d: {  	[sflag:s13] =	ssyncset.done $0x0  }
0x5e: {  	s28 =	sadd.s32 $0x100, s28;
	[sflag:s13] =	ssyncadd.s32 $0xFFFFFF80  }
0x5f: {  	[spmem:s2] =	stream.indirect.scatter.add.f32 [tilespmem:s18], [sflag:$0x4], $0x80, s22, s16, $0xb8;
	[tilespmem:$0x1E900] =	vst v63  }
0x60: {  	_ =	swait.ge [sflag:s23], $0x4000  }
0x61: {  	[sflag:s23] =	ssyncset.done $0x0  }
0x62: {  	[sflag:s23] =	ssyncadd.s32 $0xFFFFC000  }
0x63: {  	_ =	swait.ge [sflag:s24], $0x4000  }
0x64: {  	s25 =	sadd.s32 $0x1, s25;
	[sflag:s24] =	ssyncset.done $0x0  }
0x65: {  	p0 =	sne.s32 s25, s10;
	[sflag:s24] =	ssyncadd.s32 $0xFFFFC000  }
.Ltmp1:
0x66: {  	[bflag:$0x0] =	sbarrier.arrive $0xFFFF;
	(pc) =	sbr.rel @p0 .LBB2_1-.Ltmp1, $4  }
0x67: {  	[hbm:s9], [sflag:s14] =	dma.local [spmem:s15], $0x2800  }
0x68: {  	_ =	swait.ge [sflag:s13], $0x2800  }
0x69: {  	[sflag:s13] =	ssyncset.done $0x0  }
0x6a: {  	[sflag:s13] =	ssyncadd.s32 $0xFFFFD800  }
0x6b: {  	_ =	sfence.sel $0x180000  }
0x6c: {  	[bflag:$0x0] =	sbarrier.arrive $0xFFFF  }
0x6d: {  	p0 =	sne.s32 s1, $0x0;
	_ =	strace $0x9000004A  }
0x6e: {  	s0 =	sadd.s32 @!p0 $0x100000, s0;
	[bflag:$0x2] =	sbarrier.arrive $0xFFFF  }
0x6f: {  	[sflag:s0] =	ssyncadd.tile.s32 @!p0 $0x1;
	_ =	shalt  }
.Lfunc_end2:
_tile_overlayer_lowered:
.L_overlay_start_2:
0x70: {  	(tag) =	ssettag $0x2  }
0x71: {  	s0 =	rddreg [dreg:$0x0];
	s2 =	stileid.u32  }
0x72: {  	s1 =	rddreg [dreg:$0x1];
	p0 =	sne.s32 s2, $0x0  }
0x73: {  	s3 =	rddreg [dreg:$0x2];
	[bflag:$0x3] =	sbarrier.arrive $0xFFFF;
	s2 =	simm.s32 @!p0 $0x1C05  }
0x74: {  	[timem:s3], [sflag:s2] =	dma.local @!p0 [hbm:s0], s1  }
0x75: {  	s0 =	simm.s32 @!p0 $0x5  }
0x76: {  	_ =	swait.ge @!p0 [sflag:s0], s1  }
0x77: {  	s1 =	ssub.s32 @!p0 $0x0, s1;
	[sflag:s0] =	ssyncset.done @!p0 $0x0  }
0x78: {  	[sflag:s0] =	ssyncadd.s32 @!p0 s1  }
0x79: {  	[bflag:$0x3] =	sbarrier.arrive $0xFFFF  }
0x7a: {  	_ =	shalt  }

// kernel: kernel.15.cloned.1.call-start
scs
__scs_entry_jumppad:
0x0: {  	(pc) =	sbr.rel $0x88, $3  }
0x1: {  	(tag) =	ssettag $0x0;
	lr =	simm.s32 $0x1  }
0x2: {  	[smem:$0x3F9B] =	sst lr;
	_ =	strace $0xD0000000  }
0x3: {  	_ = 	snop  }
0x4: {  	_ = 	snop  }
0x5: {  	_ = 	snop  }
0x6: {  	_ = 	snop  }
0x7: {  	_ = 	snop  }
__scs_overlays_trampoline_lowered:
0x8: {  	[smem:$0x3FAA] =	sst s0  }
0x9: {  	[smem:$0x3FAB] =	sst s1  }
0xa: {  	[smem:$0x3FAC] =	sst s2  }
0xb: {  	[smem:$0x3FAD] =	sst s3  }
0xc: {  	[smem:$0x3FAE] =	sst s4  }
0xd: {  	[smem:$0x3FAF] =	sst s5  }
0xe: {  	[smem:$0x3FB0] =	sst s6  }
0xf: {  	[smem:$0x3FB1] =	sst s7  }
0x10: {  	[smem:$0x3FB2] =	sst s8  }
0x11: {  	[smem:$0x3FB3] =	sst s9;
	s0 =	simm.s32 @!p0 $0x0  }
0x12: {  	s1 =	sld [smem:$0x3F99];
	s0 =	simm.s32 @p0 $0x1  }
0x13: {  	[smem:$0x3FB4] =	sst s0;
	s0 =	simm.s32 @!p1 $0x0  }
0x14: {  	s2 =	sld [smem:$0x3F98];
	s0 =	simm.s32 @p1 $0x1  }
0x15: {  	[smem:$0x3FB5] =	sst s0;
	s0 =	simm.s32 @!p2 $0x0  }
0x16: {  	s3 =	sld [smem:$0x3FDB];
	s0 =	simm.s32 @p2 $0x1  }
0x17: {  	s4 =	simm.s32 $0x1BF5;
	[smem:$0x3FB7] =	sst s0  }
0x18: {  	s0 =	sld [smem:$0x3F9A];
	_ =	swait.ge [sflag:s4], $0x0  }
0x19: {  	s7 =	sld [smem:$0x3F9B]  }
0x1a: {  	s8 =	sadd.s32 $0xFFFFE003, lr  }
0x1b: {  	s9 =	sadd.s32 $0xFFFFFEF7, lr;
	s5 =	simm.s32 $0xFFFFFFFF;
	p2 =	slt.u32 s8, $0xFFFFF086  }
0x1c: {  	p1 =	slt.u32 s9, $0xF7A;
	s5 =	simm.s32 @!p2 $0x0  }
0x1d: {  	s5 =	simm.s32 @p1 $0x1;
	p0 =	seq.s32 s7, s2  }
0x1e: {  	s7 =	smul.u32 @!p0 $0xF7A, s2;
	p2 =	seq.s32 @!p0 s5, $0x0  }
0x1f: {  	s9 =	smul.u32 $0xF7A, s1;
	s8 =	simm.s32 @!p0 $0x1BF5;
	p2 =	por !p2, p0  }
0x20: {  	[sflag:s8] =	ssyncset.s32 @!p0 $0xFFFFF086;
	s6 =	sadd.s32 @!p0 s3, s7;
	s7 =	simm.s32 @!p0 $0x108  }
0x21: {  	s3 =	sadd.s32 s3, s9;
	s6 =	sadd.s32 @!p0 $0x88, s6;
	s7 =	simm.s32 @p2 $0x1082  }
0x22: {  	[simem:s7], [sflag:s8] =	dma.local @!p0 [hbm:s6], $0xF7A  }
0x23: {  	s9 =	sor.u32 $0xD0000000, s2;
	s6 =	simm.s32 $0x108;
	_ =	swait.ge @!p0 [sflag:s8], $0x0  }
0x24: {  	s3 =	sadd.s32 $0x88, s3;
	s6 =	simm.s32 @!p1 $0x1082;
	[sflag:s4] =	ssyncset.s32 $0xFFFFF086  }
0x25: {  	[simem:s6], [sflag:s4] =	dma.local [hbm:s3], $0xF7A  }
0x26: {  	[smem:$0x3F9B] =	sst s1;
	(tag) =	ssettag s2;
	_ =	strace s9  }
0x27: {  	s1 =	sld [smem:$0x3FAB]  }
0x28: {  	s2 =	sld [smem:$0x3FAC]  }
0x29: {  	s4 =	sld [smem:$0x3FAE]  }
0x2a: {  	p0 =	seq.s32 s5, $0x0;
	s5 =	sld [smem:$0x3FAF]  }
0x2b: {  	s6 =	sld [smem:$0x3FB0]  }
0x2c: {  	s7 =	sld [smem:$0x3FB1]  }
0x2d: {  	s3 =	simm.s32 $0x108;
	s8 =	sld [smem:$0x3FB2]  }
0x2e: {  	s3 =	simm.s32 @!p0 $0x1082;
	s9 =	sld [smem:$0x3FB3]  }
0x2f: {  	lr =	sadd.s32 s0, s3;
	s0 =	sld [smem:$0x3FAA]  }
0x30: {  	s3 =	sld [smem:$0x3FAD]  }
0x31: {  	[smem:$0x3FB6] =	sst s10  }
0x32: {  	s10 =	sld [smem:$0x3FB4];
	_ =	sdelay $0x3  }
0x33: {  	p0 =	seq.s32 s10, $0x1;
	s10 =	sld [smem:$0x3FB6];
	_ =	sdelay $0x3  }
0x34: {  	[smem:$0x3FB6] =	sst s10  }
0x35: {  	s10 =	sld [smem:$0x3FB5];
	_ =	sdelay $0x3  }
0x36: {  	p1 =	seq.s32 s10, $0x1;
	s10 =	sld [smem:$0x3FB6];
	_ =	sdelay $0x3  }
0x37: {  	[smem:$0x3FB6] =	sst s10  }
0x38: {  	s10 =	sld [smem:$0x3FB7]  }
0x39: {  	_ = 	snop;
	(pc) =	sbr.ind lr, $3  }
0x3a: {  	_ = 	snop  }
0x3b: {  	_ = 	snop  }
0x3c: {  	p2 =	seq.s32 s10, $0x1;
	s10 =	sld [smem:$0x3FB6]  }
0x3d: {  	_ =	shalt  }
0x3e: {  	_ =	shalt  }
0x3f: {  	_ =	shalt  }
0x40: {  	_ =	shalt  }
0x41: {  	_ =	shalt  }
0x42: {  	_ =	shalt  }
0x43: {  	_ =	shalt  }
0x44: {  	_ =	shalt  }
0x45: {  	_ =	shalt  }
0x46: {  	_ =	shalt  }
0x47: {  	_ =	shalt  }
0x48: {  	_ =	shalt  }
0x49: {  	_ =	shalt  }
0x4a: {  	_ =	shalt  }
0x4b: {  	_ =	shalt  }
0x4c: {  	_ =	shalt  }
0x4d: {  	_ =	shalt  }
0x4e: {  	_ =	shalt  }
0x4f: {  	_ =	shalt  }
0x50: {  	_ =	shalt  }
0x51: {  	_ =	shalt  }
0x52: {  	_ =	shalt  }
0x53: {  	_ =	shalt  }
0x54: {  	_ =	shalt  }
0x55: {  	_ =	shalt  }
0x56: {  	_ =	shalt  }
0x57: {  	_ =	shalt  }
0x58: {  	_ =	shalt  }
0x59: {  	_ =	shalt  }
0x5a: {  	_ =	shalt  }
0x5b: {  	_ =	shalt  }
0x5c: {  	_ =	shalt  }
0x5d: {  	_ =	shalt  }
0x5e: {  	_ =	shalt  }
0x5f: {  	_ =	shalt  }
0x60: {  	_ =	shalt  }
0x61: {  	_ =	shalt  }
0x62: {  	_ =	shalt  }
0x63: {  	_ =	shalt  }
0x64: {  	_ =	shalt  }
0x65: {  	_ =	shalt  }
0x66: {  	_ =	shalt  }
0x67: {  	_ =	shalt  }
0x68: {  	_ =	shalt  }
0x69: {  	_ =	shalt  }
0x6a: {  	_ =	shalt  }
0x6b: {  	_ =	shalt  }
0x6c: {  	_ =	shalt  }
0x6d: {  	_ =	shalt  }
0x6e: {  	_ =	shalt  }
0x6f: {  	_ =	shalt  }
0x70: {  	_ =	shalt  }
0x71: {  	_ =	shalt  }
0x72: {  	_ =	shalt  }
0x73: {  	_ =	shalt  }
0x74: {  	_ =	shalt  }
0x75: {  	_ =	shalt  }
0x76: {  	_ =	shalt  }
0x77: {  	_ =	shalt  }
0x78: {  	_ =	shalt  }
0x79: {  	_ =	shalt  }
0x7a: {  	_ =	shalt  }
0x7b: {  	_ =	shalt  }
0x7c: {  	_ =	shalt  }
0x7d: {  	_ =	shalt  }
0x7e: {  	_ =	shalt  }
0x7f: {  	_ =	shalt  }
0x80: {  	_ =	shalt  }
0x81: {  	_ =	shalt  }
0x82: {  	_ =	shalt  }
0x83: {  	_ =	shalt  }
0x84: {  	_ =	shalt  }
0x85: {  	_ =	shalt  }
0x86: {  	_ =	shalt  }
0x87: {  	_ =	shalt  }
.Lfunc_end0:
.L_simem_size_0:
called_computation.2_lowered:
.L_overlay_start_0:
0x88: {  	s2 =	sld [smem:$0x3FD9]  }
0x89: {  	s3 =	sld [smem:$0x3FFE];
	_ =	sdelay $0x1  }
0x8a: {  	s1 =	srdreg.scid  }
0x8b: {  	s0 =	sand.u32 $0x1, s1  }
0x8c: {  	s16 =	sshll.u32 s0, $0xA;
	s2 =	sadd.s32 s3, s2  }
0x8d: {  	s2 =	sadd.s32 s2, s16  }
0x8e: {  	[smem:$0x3FC2] =	sst s2  }
0x8f: {  	_ = 	snop  }
0x90: {  	(tm) =	ssettm $0x1  }
0x91: {  	s17 =	sld [smem:$0x3FFB];
	_ =	sdelay $0x3  }
0x92: {  	_ =	strace s17  }
0x93: {  	s2 =	sld [smem:$0x3FFC];
	_ =	sdelay $0x3  }
0x94: {  	_ =	strace s2  }
0x95: {  	s2 =	sld [smem:$0x3FFD];
	_ =	sdelay $0x3  }
0x96: {  	_ =	strace s2  }
0x97: {  	_ =	strace $0x8FFFFFFF  }
0x98: {  	s18 =	sld [smem:$0x3FDB];
	_ =	sdelay $0x1  }
0x99: {  	s19 =	simm.s32 $_scs_section_size  }
0x9a: {  	s4 =	simm.s32 $_size__tile_overlayer_lowered;
	s5 =	simm.s32 $_tile_overlayer_lowered  }
0x9b: {  	s22 =	simm.s32 $0x1BFF;
	s21 =	sshll.u32 s5, $0x1;
	s2 =	sadd.s32 s19, s18  }
0x9c: {  	s6 =	simm.s32 $0x0;
	s20 =	sshll.u32 s4, $0x1;
	s4 =	sadd.s32 s21, s2  }
0x9d: {  	[timem:s6], [sflag:s22] =	dma.local [hbm:s4], s20  }
0x9e: {  	_ =	swait.ge [sflag:s22], s20  }
0x9f: {  	s3 =	ssub.s32 $0x0, s20;
	[sflag:s22] =	ssyncset.done $0x0  }
0xa0: {  	[sflag:s22] =	ssyncadd.s32 s3;
	_ =	sdelay $0x1  }
0xa1: {  	s23 =	simm.s32 $0x1B8B  }
0xa2: {  	_ =	swait.ge [sflag:s23], $0x1  }
0xa3: {  	[sflag:s23] =	ssyncset.done $0x0  }
0xa4: {  	s25 =	simm.s32 $0x1B8E;
	s24 =	sld [smem:$0x3FFE];
	[sflag:s23] =	ssyncadd.s32 $0xFFFFFFFF  }
0xa5: {  	s26 =	simm.s32 $execute0_lowered;
	[smem:$0x3FD2] =	sst s25  }
0xa6: {  	s4 =	sshll.u32 s26, $0x1;
	_ =	strace $0x8000004C;
	[dreg:$0x1] =	wrdreg $0xFFFFFFFF  }
0xa7: {  	s28 =	simm.s32 $_size_execute0_lowered;
	s2 =	sadd.s32 s2, s4;
	[dreg:$0x0] =	wrdreg $0x0  }
0xa8: {  	s4 =	sshll.u32 s28, $0x1;
	[dreg:$0x2] =	wrdreg s2  }
0xa9: {  	[dreg:$0x3] =	wrdreg s4  }
0xaa: {  	[dreg:$0x4] =	wrdreg $0xC0  }
0xab: {  	_ =	task [dreg:s6], $0x5FFFF  }
0xac: {  	[dreg:$0x1] =	wrdreg $0xFFFFFFFF  }
0xad: {  	[dreg:$0x0] =	wrdreg $0x60  }
0xae: {  	[dreg:$0x2] =	wrdreg s24  }
0xaf: {  	[dreg:$0x3] =	wrdreg $0xA9000  }
0xb0: {  	[dreg:$0x4] =	wrdreg $0x9  }
0xb1: {  	_ =	task.clear_ibuf [dreg:s6], $0x5FFFF;
	_ =	strace $0x9000004C  }
0xb2: {  	s29 =	simm.s32 $0x9;
	_ =	strace $0x8000004E  }
0xb3: {  	_ =	swait.ge [sflag:s29], $0x1  }
0xb4: {  	[sflag:s29] =	ssyncadd.s32 $0xFFFFFFFF  }
0xb5: {  	_ =	strace $0x9000004E  }
0xb6: {  	_ =	sfence  }
0xb7: {  	s30 =	sld [smem:$0x0];
	_ =	sdelay $0x2  }
0xb8: {  	s31 =	sshll.u32 s1, $0xD;
	s1 =	sshrl.u32 s1, $0x2  }
0xb9: {  	s3 =	sand.u32 $0x4000, s31;
	s1 =	sadd.s32 s1, s30  }
0xba: {  	s0 =	sor.u32 s3, s0;
	s1 =	sshll.u32 s1, $0x11  }
0xbb: {  	s0 =	sor.u32 s1, s0  }
0xbc: {  	s0 =	sadd.s32 $0x8F2B, s0  }
0xbd: {  	[sflag:s0] =	ssyncadd.remote.s32 $0x1  }
0xbe: {  	_ =	sfence.sel $0xFFFF  }
0xbf: {  	[dreg:$0x0] =	wrdreg $0xFFFFFFFF;
	(pc) =	sbr.abs _section_cstart, $3  }
0xc0: {  	[dreg:$0x1] =	wrdreg $0xFFFFFFFF  }
0xc1: {  	_ =	task.clear_ibuf [dreg:s6], $0x2FFFF;
	_ =	strace $0x9FFFFFFF  }
0xc2: {  	(tm) =	ssettm $0x7FFFFFFF  }
0xc3: {  	_ =	shalt  }
tec
execute0_lowered:
.L_overlay_start_1:
0x0: {  	(tag) =	ssettag $0x1  }
0x1: {  	s0 =	srdreg.scid;
	s6 =	rddreg [dreg:$0x0]  }
0x2: {  	s2 =	rddreg [dreg:$0x1];
	s1 =	stileid.u32  }
0x3: {  	s3 =	simm.s32 $0x0;
	s16 =	simm.s32 $0x80;
	s17 =	simm.s32 $0x2900  }
0x4: {  	s18 =	simm.s32 $0x6900;
	s19 =	simm.s32 $0x1;
	s20 =	simm.s32 $0x2800  }
0x5: {  	s21 =	simm.s32 $0x2;
	s22 =	simm.s32 $0x2880;
	s23 =	simm.s32 $0x3  }
0x6: {  	s24 =	simm.s32 $0x4;
	s5 =	sand.u32 $0x1, s0;
	s0 =	rddreg [dreg:$0x2]  }
0x7: {  	[smem:$0x7FF] =	sst s3;
	s8 =	smul.u32 $0x2800, s1;
	s12 =	sadd.s32 $0x55A00, s6  }
0x8: {  	s26 =	smul.u32 $0x50000, s1;
	s31 =	sshll.u32 s1, $0x6;
	s4 =	sshll.u32 s5, $0x4  }
0x9: {  	_ =	strace $0x8000004D;
	s9 =	smul.u32 $0x28000, s5;
	s11 =	ssub.s32 $0x2, s5  }
0xa: {  	s5 =	sadd.s32 $0x3200, s6;
	s4 =	sor.u32 s1, s4;
	s25 =	sshrl.u32 s11, $0x1  }
0xb: {  	s28 =	sshrl.u32 s26, $0x2;
	s7 =	smul.u32 $0x2800, s4;
	s4 =	sadd.s32 $0x5A00, s6  }
0xc: {  	s13 =	sadd.s32 s8, s9;
	s11 =	ssub.s32 s11, s25;
	s15 =	sadd.s32 s28, s2  }
0xd: {  	s25 =	simm.s32 $0x0;
	s14 =	sadd.s32 s13, s6;
	s29 =	sor.u32 $0x180, s13  }
0xe: {  	s13 =	sor.u32 $0x100, s13;
	s15 =	sshrl.u32 s15, $0x3;
	s7 =	sshrl.u32 s7, $0x3  }
0xf: {  	s9 =	sadd.s32 $0x69A00, s14;
	s30 =	sshrl.u32 s29, $0x3;
	s13 =	sshrl.u32 s13, $0x3  }
0x10: {  	s14 =	sor.u32 $0x1C05, s31;
	s10 =	sadd.s32 s7, s6;
	s7 =	sadd.s32 s12, s7  }
0x11: {  	s6 =	sadd.s32 $0x5FA00, s10;
	s8 =	sadd.s32 $0x10, s7;
	s10 =	smax.u32 s11, $0x1  }
0x12: {  	s11 =	sadd.s32 s30, s12;
	s12 =	sadd.s32 s13, s12;
	s13 =	simm.s32 $0x5  }
.LBB2_1:
0x13: {  	[tilespmem:s3], [sflag:$0x5] =	stream.linear.gather [hbm4b:s6+s3], $0x2800, $0x38;
	[tilespmem:$0x1E900] =	vst v63  }
0x14: {  	_ =	swait.ge [sflag:s13], $0x2800  }
0x15: {  	[sflag:s13] =	ssyncset.done $0x0  }
0x16: {  	[sflag:s13] =	ssyncadd.s32 $0xFFFFD800  }
0x17: {  	[spmem:s15], [sflag:s14] =	dma.local [hbm:s5], $0x2800  }
0x18: {  	_ =	swait.ge [sflag:s13], $0x2800  }
0x19: {  	[sflag:s13] =	ssyncset.done $0x0  }
0x1a: {  	[sflag:s13] =	ssyncadd.s32 $0xFFFFD800  }
0x1b: {  	[bflag:$0x0] =	sbarrier.arrive $0xFFFF  }
0x1c: {  	[tilespmem:s17], [sflag:$0x1] =	stream.indirect.gather [hbm4b:s4+s16], $0x80, s3, s16, $0xb8;
	[tilespmem:$0x1E900] =	vst v63  }
0x1d: {  	_ = 	snop  }
0x1e: {  	[tilespmem:s18], [sflag:$0x2] =	stream.indirect.gather [hbm4b:s4+s16], $0x80, s16, s16, $0xb8;
	[tilespmem:$0x1E900] =	vst v63  }
0x1f: {  	_ =	swait.ge [sflag:s19], $0x4000  }
0x20: {  	[sflag:s19] =	ssyncset.done $0x0  }
0x21: {  	[sflag:s19] =	ssyncadd.s32 $0xFFFFC000  }
0x22: {  	[tilespmem:s20], [sflag:$0x5] =	stream.linear.gather [hbm4b:s7+s3], $0x80, $0x38;
	[tilespmem:$0x1E900] =	vst v63  }
0x23: {  	_ =	swait.ge [sflag:s13], $0x80  }
0x24: {  	[sflag:s13] =	ssyncset.done $0x0  }
0x25: {  	[sflag:s13] =	ssyncadd.s32 $0xFFFFFF80  }
0x26: {  	[spmem:s2] =	stream.indirect.scatter.add.f32 [tilespmem:s17], [sflag:$0x3], $0x80, s20, s16, $0xb8;
	[tilespmem:$0x1E900] =	vst v63  }
0x27: {  	_ =	swait.ge [sflag:s21], $0x4000  }
0x28: {  	[sflag:s21] =	ssyncset.done $0x0  }
0x29: {  	[sflag:s21] =	ssyncadd.s32 $0xFFFFC000  }
0x2a: {  	[tilespmem:s22], [sflag:$0x5] =	stream.linear.gather [hbm4b:s8+s3], $0x80, $0x38;
	[tilespmem:$0x1E900] =	vst v63  }
0x2b: {  	_ =	swait.ge [sflag:s13], $0x80  }
0x2c: {  	[sflag:s13] =	ssyncset.done $0x0  }
0x2d: {  	[sflag:s13] =	ssyncadd.s32 $0xFFFFFF80  }
0x2e: {  	[spmem:s2] =	stream.indirect.scatter.add.f32 [tilespmem:s18], [sflag:$0x4], $0x80, s22, s16, $0xb8;
	[tilespmem:$0x1E900] =	vst v63  }
0x2f: {  	_ =	swait.ge [sflag:s23], $0x4000  }
0x30: {  	[sflag:s23] =	ssyncset.done $0x0  }
0x31: {  	s26 =	simm.s32 $0x100;
	[sflag:s23] =	ssyncadd.s32 $0xFFFFC000  }
0x32: {  	[tilespmem:s17], [sflag:$0x1] =	stream.indirect.gather [hbm4b:s4+s16], $0x80, s26, s16, $0xb8;
	[tilespmem:$0x1E900] =	vst v63  }
0x33: {  	_ =	swait.ge [sflag:s24], $0x4000  }
0x34: {  	[sflag:s24] =	ssyncset.done $0x0  }
0x35: {  	s29 =	simm.s32 $0x180;
	[sflag:s24] =	ssyncadd.s32 $0xFFFFC000  }
0x36: {  	[tilespmem:s18], [sflag:$0x2] =	stream.indirect.gather [hbm4b:s4+s16], $0x80, s29, s16, $0xb8;
	[tilespmem:$0x1E900] =	vst v63  }
0x37: {  	_ =	swait.ge [sflag:s19], $0x4000  }
0x38: {  	[sflag:s19] =	ssyncset.done $0x0  }
0x39: {  	s30 =	sadd.s32 $0x0, s12;
	[sflag:s19] =	ssyncadd.s32 $0xFFFFC000  }
0x3a: {  	[tilespmem:s20], [sflag:$0x5] =	stream.linear.gather [hbm4b:s30+s3], $0x80, $0x38;
	[tilespmem:$0x1E900] =	vst v63  }
0x3b: {  	_ =	swait.ge [sflag:s13], $0x80  }
0x3c: {  	[sflag:s13] =	ssyncset.done $0x0  }
0x3d: {  	[sflag:s13] =	ssyncadd.s32 $0xFFFFFF80  }
0x3e: {  	[spmem:s2] =	stream.indirect.scatter.add.f32 [tilespmem:s17], [sflag:$0x3], $0x80, s20, s16, $0xb8;
	[tilespmem:$0x1E900] =	vst v63  }
0x3f: {  	_ =	swait.ge [sflag:s21], $0x4000  }
0x40: {  	[sflag:s21] =	ssyncset.done $0x0  }
0x41: {  	s31 =	sadd.s32 $0x0, s11;
	[sflag:s21] =	ssyncadd.s32 $0xFFFFC000  }
0x42: {  	[tilespmem:s22], [sflag:$0x5] =	stream.linear.gather [hbm4b:s31+s3], $0x80, $0x38;
	[tilespmem:$0x1E900] =	vst v63  }
0x43: {  	_ =	swait.ge [sflag:s13], $0x80  }
0x44: {  	[sflag:s13] =	ssyncset.done $0x0  }
0x45: {  	s28 =	simm.s32 $0x280;
	s26 =	simm.s32 $0x20;
	[sflag:s13] =	ssyncadd.s32 $0xFFFFFF80  }
.LBB2_2:
0x46: {  	[spmem:s2] =	stream.indirect.scatter.add.f32 [tilespmem:s18], [sflag:$0x4], $0x80, s22, s16, $0xb8;
	[tilespmem:$0x1E900] =	vst v63  }
0x47: {  	s29 =	smov.u32 s26  }
0x48: {  	p0 =	sne.s32 s26, $0x4C0;
	s26 =	sadd.s32 $0x20, s26;
	_ =	swait.ge [sflag:s23], $0x4000  }
0x49: {  	[sflag:s23] =	ssyncset.done $0x0  }
0x4a: {  	s30 =	sadd.s32 $0xFFFFFF80, s28;
	[sflag:s23] =	ssyncadd.s32 $0xFFFFC000  }
0x4b: {  	[tilespmem:s17], [sflag:$0x1] =	stream.indirect.gather [hbm4b:s4+s16], $0x80, s30, s16, $0xb8;
	[tilespmem:$0x1E900] =	vst v63  }
0x4c: {  	_ =	swait.ge [sflag:s24], $0x4000  }
0x4d: {  	[sflag:s24] =	ssyncset.done $0x0  }
0x4e: {  	[sflag:s24] =	ssyncadd.s32 $0xFFFFC000  }
0x4f: {  	[tilespmem:s18], [sflag:$0x2] =	stream.indirect.gather [hbm4b:s4+s16], $0x80, s28, s16, $0xb8;
	[tilespmem:$0x1E900] =	vst v63  }
0x50: {  	_ =	swait.ge [sflag:s19], $0x4000  }
0x51: {  	[sflag:s19] =	ssyncset.done $0x0  }
0x52: {  	s30 =	sadd.s32 s29, s12;
	[sflag:s19] =	ssyncadd.s32 $0xFFFFC000  }
0x53: {  	[tilespmem:s20], [sflag:$0x5] =	stream.linear.gather [hbm4b:s30+s3], $0x80, $0x38;
	[tilespmem:$0x1E900] =	vst v63  }
0x54: {  	_ =	swait.ge [sflag:s13], $0x80  }
0x55: {  	[sflag:s13] =	ssyncset.done $0x0  }
0x56: {  	[sflag:s13] =	ssyncadd.s32 $0xFFFFFF80  }
0x57: {  	[spmem:s2] =	stream.indirect.scatter.add.f32 [tilespmem:s17], [sflag:$0x3], $0x80, s20, s16, $0xb8;
	[tilespmem:$0x1E900] =	vst v63  }
0x58: {  	_ =	swait.ge [sflag:s21], $0x4000  }
0x59: {  	[sflag:s21] =	ssyncset.done $0x0  }
.Ltmp0:
0x5a: {  	s29 =	sadd.s32 s29, s11;
	[sflag:s21] =	ssyncadd.s32 $0xFFFFC000;
	(pc) =	sbr.rel @p0 .LBB2_2-.Ltmp0, $4  }
0x5b: {  	[tilespmem:s22], [sflag:$0x5] =	stream.linear.gather [hbm4b:s29+s3], $0x80, $0x38;
	[tilespmem:$0x1E900] =	vst v63  }
0x5c: {  	_ =	swait.ge [sflag:s13], $0x80  }
0x5d: {  	[sflag:s13] =	ssyncset.done $0x0  }
0x5e: {  	s28 =	sadd.s32 $0x100, s28;
	[sflag:s13] =	ssyncadd.s32 $0xFFFFFF80  }
0x5f: {  	[spmem:s2] =	stream.indirect.scatter.add.f32 [tilespmem:s18], [sflag:$0x4], $0x80, s22, s16, $0xb8;
	[tilespmem:$0x1E900] =	vst v63  }
0x60: {  	_ =	swait.ge [sflag:s23], $0x4000  }
0x61: {  	[sflag:s23] =	ssyncset.done $0x0  }
0x62: {  	[sflag:s23] =	ssyncadd.s32 $0xFFFFC000  }
0x63: {  	_ =	swait.ge [sflag:s24], $0x4000  }
0x64: {  	s25 =	sadd.s32 $0x1, s25;
	[sflag:s24] =	ssyncset.done $0x0  }
0x65: {  	p0 =	sne.s32 s25, s10;
	[sflag:s24] =	ssyncadd.s32 $0xFFFFC000  }
.Ltmp1:
0x66: {  	[bflag:$0x0] =	sbarrier.arrive $0xFFFF;
	(pc) =	sbr.rel @p0 .LBB2_1-.Ltmp1, $4  }
0x67: {  	[hbm:s9], [sflag:s14] =	dma.local [spmem:s15], $0x2800  }
0x68: {  	_ =	swait.ge [sflag:s13], $0x2800  }
0x69: {  	[sflag:s13] =	ssyncset.done $0x0  }
0x6a: {  	[sflag:s13] =	ssyncadd.s32 $0xFFFFD800  }
0x6b: {  	_ =	sfence.sel $0x180000  }
0x6c: {  	[bflag:$0x0] =	sbarrier.arrive $0xFFFF  }
0x6d: {  	p0 =	sne.s32 s1, $0x0;
	_ =	strace $0x9000004D  }
0x6e: {  	s0 =	sadd.s32 @!p0 $0x100000, s0;
	[bflag:$0x2] =	sbarrier.arrive $0xFFFF  }
0x6f: {  	[sflag:s0] =	ssyncadd.tile.s32 @!p0 $0x1;
	_ =	shalt  }
.Lfunc_end2:
_tile_overlayer_lowered:
.L_overlay_start_2:
0x70: {  	(tag) =	ssettag $0x2  }
0x71: {  	s0 =	rddreg [dreg:$0x0];
	s2 =	stileid.u32  }
0x72: {  	s1 =	rddreg [dreg:$0x1];
	p0 =	sne.s32 s2, $0x0  }
0x73: {  	s3 =	rddreg [dreg:$0x2];
	[bflag:$0x3] =	sbarrier.arrive $0xFFFF;
	s2 =	simm.s32 @!p0 $0x1C05  }
0x74: {  	[timem:s3], [sflag:s2] =	dma.local @!p0 [hbm:s0], s1  }
0x75: {  	s0 =	simm.s32 @!p0 $0x5  }
0x76: {  	_ =	swait.ge @!p0 [sflag:s0], s1  }
0x77: {  	s1 =	ssub.s32 @!p0 $0x0, s1;
	[sflag:s0] =	ssyncset.done @!p0 $0x0  }
0x78: {  	[sflag:s0] =	ssyncadd.s32 @!p0 s1  }
0x79: {  	[bflag:$0x3] =	sbarrier.arrive $0xFFFF  }
0x7a: {  	_ =	shalt  }

// kernel: kernel.9.cloned.1.call-start
scs
__scs_entry_jumppad:
0x0: {  	(pc) =	sbr.rel $0x88, $3  }
0x1: {  	(tag) =	ssettag $0x0;
	lr =	simm.s32 $0x1  }
0x2: {  	[smem:$0x3F9B] =	sst lr;
	_ =	strace $0xD0000000  }
0x3: {  	_ = 	snop  }
0x4: {  	_ = 	snop  }
0x5: {  	_ = 	snop  }
0x6: {  	_ = 	snop  }
0x7: {  	_ = 	snop  }
__scs_overlays_trampoline_lowered:
0x8: {  	[smem:$0x3FAA] =	sst s0  }
0x9: {  	[smem:$0x3FAB] =	sst s1  }
0xa: {  	[smem:$0x3FAC] =	sst s2  }
0xb: {  	[smem:$0x3FAD] =	sst s3  }
0xc: {  	[smem:$0x3FAE] =	sst s4  }
0xd: {  	[smem:$0x3FAF] =	sst s5  }
0xe: {  	[smem:$0x3FB0] =	sst s6  }
0xf: {  	[smem:$0x3FB1] =	sst s7  }
0x10: {  	[smem:$0x3FB2] =	sst s8  }
0x11: {  	[smem:$0x3FB3] =	sst s9;
	s0 =	simm.s32 @!p0 $0x0  }
0x12: {  	s1 =	sld [smem:$0x3F99];
	s0 =	simm.s32 @p0 $0x1  }
0x13: {  	[smem:$0x3FB4] =	sst s0;
	s0 =	simm.s32 @!p1 $0x0  }
0x14: {  	s2 =	sld [smem:$0x3F98];
	s0 =	simm.s32 @p1 $0x1  }
0x15: {  	[smem:$0x3FB5] =	sst s0;
	s0 =	simm.s32 @!p2 $0x0  }
0x16: {  	s3 =	sld [smem:$0x3FDB];
	s0 =	simm.s32 @p2 $0x1  }
0x17: {  	s4 =	simm.s32 $0x1BF5;
	[smem:$0x3FB7] =	sst s0  }
0x18: {  	s0 =	sld [smem:$0x3F9A];
	_ =	swait.ge [sflag:s4], $0x0  }
0x19: {  	s7 =	sld [smem:$0x3F9B]  }
0x1a: {  	s8 =	sadd.s32 $0xFFFFE003, lr  }
0x1b: {  	s9 =	sadd.s32 $0xFFFFFEF7, lr;
	s5 =	simm.s32 $0xFFFFFFFF;
	p2 =	slt.u32 s8, $0xFFFFF086  }
0x1c: {  	p1 =	slt.u32 s9, $0xF7A;
	s5 =	simm.s32 @!p2 $0x0  }
0x1d: {  	s5 =	simm.s32 @p1 $0x1;
	p0 =	seq.s32 s7, s2  }
0x1e: {  	s7 =	smul.u32 @!p0 $0xF7A, s2;
	p2 =	seq.s32 @!p0 s5, $0x0  }
0x1f: {  	s9 =	smul.u32 $0xF7A, s1;
	s8 =	simm.s32 @!p0 $0x1BF5;
	p2 =	por !p2, p0  }
0x20: {  	[sflag:s8] =	ssyncset.s32 @!p0 $0xFFFFF086;
	s6 =	sadd.s32 @!p0 s3, s7;
	s7 =	simm.s32 @!p0 $0x108  }
0x21: {  	s3 =	sadd.s32 s3, s9;
	s6 =	sadd.s32 @!p0 $0x88, s6;
	s7 =	simm.s32 @p2 $0x1082  }
0x22: {  	[simem:s7], [sflag:s8] =	dma.local @!p0 [hbm:s6], $0xF7A  }
0x23: {  	s9 =	sor.u32 $0xD0000000, s2;
	s6 =	simm.s32 $0x108;
	_ =	swait.ge @!p0 [sflag:s8], $0x0  }
0x24: {  	s3 =	sadd.s32 $0x88, s3;
	s6 =	simm.s32 @!p1 $0x1082;
	[sflag:s4] =	ssyncset.s32 $0xFFFFF086  }
0x25: {  	[simem:s6], [sflag:s4] =	dma.local [hbm:s3], $0xF7A  }
0x26: {  	[smem:$0x3F9B] =	sst s1;
	(tag) =	ssettag s2;
	_ =	strace s9  }
0x27: {  	s1 =	sld [smem:$0x3FAB]  }
0x28: {  	s2 =	sld [smem:$0x3FAC]  }
0x29: {  	s4 =	sld [smem:$0x3FAE]  }
0x2a: {  	p0 =	seq.s32 s5, $0x0;
	s5 =	sld [smem:$0x3FAF]  }
0x2b: {  	s6 =	sld [smem:$0x3FB0]  }
0x2c: {  	s7 =	sld [smem:$0x3FB1]  }
0x2d: {  	s3 =	simm.s32 $0x108;
	s8 =	sld [smem:$0x3FB2]  }
0x2e: {  	s3 =	simm.s32 @!p0 $0x1082;
	s9 =	sld [smem:$0x3FB3]  }
0x2f: {  	lr =	sadd.s32 s0, s3;
	s0 =	sld [smem:$0x3FAA]  }
0x30: {  	s3 =	sld [smem:$0x3FAD]  }
0x31: {  	[smem:$0x3FB6] =	sst s10  }
0x32: {  	s10 =	sld [smem:$0x3FB4];
	_ =	sdelay $0x3  }
0x33: {  	p0 =	seq.s32 s10, $0x1;
	s10 =	sld [smem:$0x3FB6];
	_ =	sdelay $0x3  }
0x34: {  	[smem:$0x3FB6] =	sst s10  }
0x35: {  	s10 =	sld [smem:$0x3FB5];
	_ =	sdelay $0x3  }
0x36: {  	p1 =	seq.s32 s10, $0x1;
	s10 =	sld [smem:$0x3FB6];
	_ =	sdelay $0x3  }
0x37: {  	[smem:$0x3FB6] =	sst s10  }
0x38: {  	s10 =	sld [smem:$0x3FB7]  }
0x39: {  	_ = 	snop;
	(pc) =	sbr.ind lr, $3  }
0x3a: {  	_ = 	snop  }
0x3b: {  	_ = 	snop  }
0x3c: {  	p2 =	seq.s32 s10, $0x1;
	s10 =	sld [smem:$0x3FB6]  }
0x3d: {  	_ =	shalt  }
0x3e: {  	_ =	shalt  }
0x3f: {  	_ =	shalt  }
0x40: {  	_ =	shalt  }
0x41: {  	_ =	shalt  }
0x42: {  	_ =	shalt  }
0x43: {  	_ =	shalt  }
0x44: {  	_ =	shalt  }
0x45: {  	_ =	shalt  }
0x46: {  	_ =	shalt  }
0x47: {  	_ =	shalt  }
0x48: {  	_ =	shalt  }
0x49: {  	_ =	shalt  }
0x4a: {  	_ =	shalt  }
0x4b: {  	_ =	shalt  }
0x4c: {  	_ =	shalt  }
0x4d: {  	_ =	shalt  }
0x4e: {  	_ =	shalt  }
0x4f: {  	_ =	shalt  }
0x50: {  	_ =	shalt  }
0x51: {  	_ =	shalt  }
0x52: {  	_ =	shalt  }
0x53: {  	_ =	shalt  }
0x54: {  	_ =	shalt  }
0x55: {  	_ =	shalt  }
0x56: {  	_ =	shalt  }
0x57: {  	_ =	shalt  }
0x58: {  	_ =	shalt  }
0x59: {  	_ =	shalt  }
0x5a: {  	_ =	shalt  }
0x5b: {  	_ =	shalt  }
0x5c: {  	_ =	shalt  }
0x5d: {  	_ =	shalt  }
0x5e: {  	_ =	shalt  }
0x5f: {  	_ =	shalt  }
0x60: {  	_ =	shalt  }
0x61: {  	_ =	shalt  }
0x62: {  	_ =	shalt  }
0x63: {  	_ =	shalt  }
0x64: {  	_ =	shalt  }
0x65: {  	_ =	shalt  }
0x66: {  	_ =	shalt  }
0x67: {  	_ =	shalt  }
0x68: {  	_ =	shalt  }
0x69: {  	_ =	shalt  }
0x6a: {  	_ =	shalt  }
0x6b: {  	_ =	shalt  }
0x6c: {  	_ =	shalt  }
0x6d: {  	_ =	shalt  }
0x6e: {  	_ =	shalt  }
0x6f: {  	_ =	shalt  }
0x70: {  	_ =	shalt  }
0x71: {  	_ =	shalt  }
0x72: {  	_ =	shalt  }
0x73: {  	_ =	shalt  }
0x74: {  	_ =	shalt  }
0x75: {  	_ =	shalt  }
0x76: {  	_ =	shalt  }
0x77: {  	_ =	shalt  }
0x78: {  	_ =	shalt  }
0x79: {  	_ =	shalt  }
0x7a: {  	_ =	shalt  }
0x7b: {  	_ =	shalt  }
0x7c: {  	_ =	shalt  }
0x7d: {  	_ =	shalt  }
0x7e: {  	_ =	shalt  }
0x7f: {  	_ =	shalt  }
0x80: {  	_ =	shalt  }
0x81: {  	_ =	shalt  }
0x82: {  	_ =	shalt  }
0x83: {  	_ =	shalt  }
0x84: {  	_ =	shalt  }
0x85: {  	_ =	shalt  }
0x86: {  	_ =	shalt  }
0x87: {  	_ =	shalt  }
.Lfunc_end0:
.L_simem_size_0:
called_computation_lowered:
.L_overlay_start_0:
0x88: {  	s2 =	sld [smem:$0x3FD9]  }
0x89: {  	s3 =	sld [smem:$0x3FFE];
	_ =	sdelay $0x1  }
0x8a: {  	s1 =	srdreg.scid  }
0x8b: {  	s0 =	sand.u32 $0x1, s1  }
0x8c: {  	s17 =	sshll.u32 s0, $0xA;
	s2 =	sadd.s32 s3, s2  }
0x8d: {  	s2 =	sadd.s32 s2, s17  }
0x8e: {  	[smem:$0x3FC2] =	sst s2  }
0x8f: {  	_ = 	snop  }
0x90: {  	s2 =	sld [smem:$0x3FD0];
	(tm) =	ssettm $0x1  }
0x91: {  	s18 =	sld [smem:$0x3FFB];
	_ =	sdelay $0x3  }
0x92: {  	_ =	strace s18  }
0x93: {  	s3 =	sld [smem:$0x3FFC];
	_ =	sdelay $0x3  }
0x94: {  	_ =	strace s3  }
0x95: {  	s3 =	sld [smem:$0x3FFD];
	_ =	sdelay $0x3  }
0x96: {  	_ =	strace s3  }
0x97: {  	_ =	strace $0x8FFFFFFF  }
0x98: {  	s19 =	sld [smem:$0x3FDB];
	_ =	sdelay $0x1  }
0x99: {  	s4 =	simm.s32 $_scs_section_size  }
0x9a: {  	s5 =	simm.s32 $_size__tile_overlayer_lowered;
	s6 =	simm.s32 $_tile_overlayer_lowered  }
0x9b: {  	s22 =	simm.s32 $0x1BFF;
	s21 =	sshll.u32 s6, $0x1;
	s3 =	sadd.s32 s4, s19  }
0x9c: {  	s7 =	simm.s32 $0x0;
	s20 =	sshll.u32 s5, $0x1;
	s5 =	sadd.s32 s21, s3  }
0x9d: {  	[timem:s7], [sflag:s22] =	dma.local [hbm:s5], s20  }
0x9e: {  	_ =	swait.ge [sflag:s22], s20  }
0x9f: {  	s4 =	ssub.s32 $0x0, s20;
	[sflag:s22] =	ssyncset.done $0x0  }
0xa0: {  	[sflag:s22] =	ssyncadd.s32 s4;
	_ =	sdelay $0x1  }
0xa1: {  	s23 =	simm.s32 $0x1B8B  }
0xa2: {  	_ =	swait.ge [sflag:s23], $0x1  }
0xa3: {  	[sflag:s23] =	ssyncset.done $0x0  }
0xa4: {  	s25 =	simm.s32 $0x1B8E;
	s24 =	sld [smem:$0x3FFE];
	[sflag:s23] =	ssyncadd.s32 $0xFFFFFFFF  }
0xa5: {  	s26 =	simm.s32 $execute0_lowered;
	[smem:$0x3FD2] =	sst s25  }
0xa6: {  	s5 =	sshll.u32 s26, $0x1;
	_ =	strace $0x80000046;
	[dreg:$0x1] =	wrdreg $0xFFFFFFFF  }
0xa7: {  	s28 =	simm.s32 $_size_execute0_lowered;
	s3 =	sadd.s32 s3, s5;
	[dreg:$0x0] =	wrdreg $0x0  }
0xa8: {  	s5 =	sshll.u32 s28, $0x1;
	[dreg:$0x2] =	wrdreg s3  }
0xa9: {  	[dreg:$0x3] =	wrdreg s5  }
0xaa: {  	[dreg:$0x4] =	wrdreg $0xC0  }
0xab: {  	_ =	task [dreg:s7], $0x5FFFF  }
0xac: {  	[dreg:$0x1] =	wrdreg $0xFFFFFFFF  }
0xad: {  	[dreg:$0x0] =	wrdreg $0x60  }
0xae: {  	[dreg:$0x2] =	wrdreg s2  }
0xaf: {  	[dreg:$0x3] =	wrdreg s24  }
0xb0: {  	[dreg:$0x4] =	wrdreg $0x41000  }
0xb1: {  	[dreg:$0x5] =	wrdreg $0x9  }
0xb2: {  	_ =	task.clear_ibuf [dreg:s7], $0x6FFFF;
	_ =	strace $0x90000046  }
0xb3: {  	s29 =	simm.s32 $0x9;
	_ =	strace $0x80000048  }
0xb4: {  	_ =	swait.ge [sflag:s29], $0x1  }
0xb5: {  	[sflag:s29] =	ssyncadd.s32 $0xFFFFFFFF  }
0xb6: {  	_ =	strace $0x90000048  }
0xb7: {  	_ =	sfence  }
0xb8: {  	s30 =	sld [smem:$0x0];
	_ =	sdelay $0x2  }
0xb9: {  	s31 =	sshll.u32 s1, $0xD;
	s1 =	sshrl.u32 s1, $0x2  }
0xba: {  	s3 =	sand.u32 $0x4000, s31;
	s1 =	sadd.s32 s1, s30  }
0xbb: {  	s0 =	sor.u32 s3, s0;
	s1 =	sshll.u32 s1, $0x11  }
0xbc: {  	s0 =	sor.u32 s1, s0  }
0xbd: {  	s0 =	sadd.s32 $0x8F2B, s0  }
0xbe: {  	[sflag:s0] =	ssyncadd.remote.s32 $0x1  }
0xbf: {  	_ =	sfence.sel $0xFFFF  }
0xc0: {  	[dreg:$0x0] =	wrdreg $0xFFFFFFFF;
	(pc) =	sbr.abs _section_cstart, $3  }
0xc1: {  	[dreg:$0x1] =	wrdreg $0xFFFFFFFF  }
0xc2: {  	_ =	task.clear_ibuf [dreg:s7], $0x2FFFF;
	_ =	strace $0x9FFFFFFF  }
0xc3: {  	(tm) =	ssettm $0x7FFFFFFF  }
tec
execute0_lowered:
.L_overlay_start_1:
0x0: {  	(tag) =	ssettag $0x1  }
0x1: {  	s10 =	rddreg [dreg:$0x0]  }
0x2: {  	s8 =	rddreg [dreg:$0x1]  }
0x3: {  	s1 =	rddreg [dreg:$0x2];
	s2 =	srdreg.scid  }
0x4: {  	s0 =	rddreg [dreg:$0x3];
	s3 =	simm.s32 $0x0;
	s16 =	simm.s32 $0x1  }
0x5: {  	s17 =	simm.s32 $0x2;
	s7 =	sand.u32 $0x1, s2;
	s2 =	stileid.u32  }
0x6: {  	s18 =	simm.s32 $0x0;
	[smem:$0x7FF] =	sst s3;
	s6 =	smul.u32 $0x50000, s7  }
0x7: {  	s4 =	sadd.s32 $0x2A00, s8;
	s5 =	sadd.s32 $0x3200, s8;
	s9 =	smul.u32 $0x5000, s2  }
0x8: {  	_ =	strace $0x80000047;
	s11 =	smul.u32 $0x50000, s2;
	s12 =	ssub.s32 $0x2, s7  }
0x9: {  	p0 =	seq.s32 s7, $0x1;
	s30 =	smul.u32 $0x2800, s2;
	s31 =	sshll.u32 s2, $0x6  }
0xa: {  	s13 =	sshrl.u32 s12, $0x1;
	s9 =	sadd.s32 s9, s6;
	s26 =	sshrl.u32 s11, $0x2  }
0xb: {  	s28 =	ssub.s32 s12, s13;
	s12 =	simm.s32 $0x2DA00;
	s11 =	simm.s32 $0x100  }
0xc: {  	s13 =	sor.u32 $0x1C03, s31;
	s14 =	sadd.s32 s26, s1;
	s29 =	sshrl.u32 s9, $0x3  }
0xd: {  	s12 =	simm.s32 @!p0 $0x5A00;
	s9 =	sor.u32 $0x100, s9;
	s6 =	sadd.s32 s10, s29  }
0xe: {  	s12 =	sadd.s32 s12, s8;
	s15 =	sshrl.u32 s9, $0x3;
	s8 =	smax.u32 s28, $0x1  }
0xf: {  	s14 =	sshrl.u32 s14, $0x3;
	s7 =	sadd.s32 $0x10, s6;
	s9 =	sadd.s32 s12, s30  }
0x10: {  	s10 =	sadd.s32 s15, s10;
	s12 =	simm.s32 $0x3;
	s15 =	simm.s32 $0x80  }
.LBB2_1:
0x11: {  	[tilespmem:s11], [sflag:$0x3] =	stream.linear.gather [hbm4b:s4+s3], $0x4000, $0x38;
	[tilespmem:$0x18100] =	vst v63  }
0x12: {  	_ =	swait.ge [sflag:s12], $0x4000  }
0x13: {  	[sflag:s12] =	ssyncset.done $0x0  }
0x14: {  	[sflag:s12] =	ssyncadd.s32 $0xFFFFC000  }
0x15: {  	[spmem:s14], [sflag:s13] =	dma.local [hbm:s5], $0x2800  }
0x16: {  	_ =	swait.ge [sflag:s12], $0x2800  }
0x17: {  	[sflag:s12] =	ssyncset.done $0x0  }
0x18: {  	[sflag:s12] =	ssyncadd.s32 $0xFFFFD800  }
0x19: {  	[bflag:$0x0] =	sbarrier.arrive $0xFFFF  }
0x1a: {  	[tilespmem:s3], [sflag:$0x3] =	stream.linear.gather [hbm4b:s6+s3], $0x80, $0x38;
	[tilespmem:$0x18100] =	vst v63  }
0x1b: {  	_ =	swait.ge [sflag:s12], $0x80  }
0x1c: {  	[sflag:s12] =	ssyncset.done $0x0  }
0x1d: {  	[sflag:s12] =	ssyncadd.s32 $0xFFFFFF80  }
0x1e: {  	[spmem:s1] =	stream.indirect.scatter.add.f32 [tilespmem:s11], [sflag:$0x1], $0x80, s3, s15, $0xb8;
	[tilespmem:$0x18100] =	vst v63  }
0x1f: {  	_ = 	snop  }
0x20: {  	[tilespmem:s15], [sflag:$0x3] =	stream.linear.gather [hbm4b:s7+s3], $0x80, $0x38;
	[tilespmem:$0x18100] =	vst v63  }
0x21: {  	_ =	swait.ge [sflag:s12], $0x80  }
0x22: {  	[sflag:s12] =	ssyncset.done $0x0  }
0x23: {  	[sflag:s12] =	ssyncadd.s32 $0xFFFFFF80  }
0x24: {  	[spmem:s1] =	stream.indirect.scatter.add.f32 [tilespmem:s11], [sflag:$0x2], $0x80, s15, s15, $0xb8;
	[tilespmem:$0x18100] =	vst v63  }
0x25: {  	_ =	swait.ge [sflag:s16], $0x4000  }
0x26: {  	[sflag:s16] =	ssyncset.done $0x0  }
0x27: {  	s19 =	sadd.s32 $0x0, s10;
	[sflag:s16] =	ssyncadd.s32 $0xFFFFC000  }
0x28: {  	[tilespmem:s3], [sflag:$0x3] =	stream.linear.gather [hbm4b:s19+s3], $0x80, $0x38;
	[tilespmem:$0x18100] =	vst v63  }
0x29: {  	_ =	swait.ge [sflag:s12], $0x80  }
0x2a: {  	[sflag:s12] =	ssyncset.done $0x0  }
0x2b: {  	[sflag:s12] =	ssyncadd.s32 $0xFFFFFF80  }
0x2c: {  	[spmem:s1] =	stream.indirect.scatter.add.f32 [tilespmem:s11], [sflag:$0x1], $0x80, s3, s15, $0xb8;
	[tilespmem:$0x18100] =	vst v63  }
0x2d: {  	_ =	swait.ge [sflag:s17], $0x4000  }
0x2e: {  	[sflag:s17] =	ssyncset.done $0x0  }
0x2f: {  	s19 =	sadd.s32 $0x10, s19;
	[sflag:s17] =	ssyncadd.s32 $0xFFFFC000  }
0x30: {  	[tilespmem:s15], [sflag:$0x3] =	stream.linear.gather [hbm4b:s19+s3], $0x80, $0x38;
	[tilespmem:$0x18100] =	vst v63  }
0x31: {  	_ =	swait.ge [sflag:s12], $0x80  }
0x32: {  	[sflag:s12] =	ssyncset.done $0x0  }
0x33: {  	s19 =	simm.s32 $0x20;
	[sflag:s12] =	ssyncadd.s32 $0xFFFFFF80  }
.LBB2_2:
0x34: {  	[spmem:s1] =	stream.indirect.scatter.add.f32 [tilespmem:s11], [sflag:$0x2], $0x80, s15, s15, $0xb8;
	[tilespmem:$0x18100] =	vst v63  }
0x35: {  	s20 =	smov.u32 s19  }
0x36: {  	p0 =	sne.s32 s19, $0x9C0;
	s19 =	sadd.s32 $0x20, s19;
	_ =	swait.ge [sflag:s16], $0x4000  }
0x37: {  	[sflag:s16] =	ssyncset.done $0x0  }
0x38: {  	s20 =	sadd.s32 s20, s10;
	[sflag:s16] =	ssyncadd.s32 $0xFFFFC000  }
0x39: {  	[tilespmem:s3], [sflag:$0x3] =	stream.linear.gather [hbm4b:s20+s3], $0x80, $0x38;
	[tilespmem:$0x18100] =	vst v63  }
0x3a: {  	_ =	swait.ge [sflag:s12], $0x80  }
0x3b: {  	[sflag:s12] =	ssyncset.done $0x0  }
0x3c: {  	[sflag:s12] =	ssyncadd.s32 $0xFFFFFF80  }
0x3d: {  	[spmem:s1] =	stream.indirect.scatter.add.f32 [tilespmem:s11], [sflag:$0x1], $0x80, s3, s15, $0xb8;
	[tilespmem:$0x18100] =	vst v63  }
0x3e: {  	_ =	swait.ge [sflag:s17], $0x4000  }
0x3f: {  	[sflag:s17] =	ssyncset.done $0x0  }
.Ltmp0:
0x40: {  	s20 =	sadd.s32 $0x10, s20;
	[sflag:s17] =	ssyncadd.s32 $0xFFFFC000;
	(pc) =	sbr.rel @p0 .LBB2_2-.Ltmp0, $4  }
0x41: {  	[tilespmem:s15], [sflag:$0x3] =	stream.linear.gather [hbm4b:s20+s3], $0x80, $0x38;
	[tilespmem:$0x18100] =	vst v63  }
0x42: {  	_ =	swait.ge [sflag:s12], $0x80  }
0x43: {  	[sflag:s12] =	ssyncset.done $0x0  }
0x44: {  	[sflag:s12] =	ssyncadd.s32 $0xFFFFFF80  }
0x45: {  	[spmem:s1] =	stream.indirect.scatter.add.f32 [tilespmem:s11], [sflag:$0x2], $0x80, s15, s15, $0xb8;
	[tilespmem:$0x18100] =	vst v63  }
0x46: {  	_ =	swait.ge [sflag:s16], $0x4000  }
0x47: {  	[sflag:s16] =	ssyncset.done $0x0  }
0x48: {  	[sflag:s16] =	ssyncadd.s32 $0xFFFFC000  }
0x49: {  	_ =	swait.ge [sflag:s17], $0x4000  }
0x4a: {  	s18 =	sadd.s32 $0x1, s18;
	[sflag:s17] =	ssyncset.done $0x0  }
0x4b: {  	p0 =	sne.s32 s18, s8;
	[sflag:s17] =	ssyncadd.s32 $0xFFFFC000  }
.Ltmp1:
0x4c: {  	[bflag:$0x0] =	sbarrier.arrive $0xFFFF;
	(pc) =	sbr.rel @p0 .LBB2_1-.Ltmp1, $4  }
0x4d: {  	[hbm:s9], [sflag:s13] =	dma.local [spmem:s14], $0x2800  }
0x4e: {  	_ =	swait.ge [sflag:s12], $0x2800  }
0x4f: {  	[sflag:s12] =	ssyncset.done $0x0  }
0x50: {  	[sflag:s12] =	ssyncadd.s32 $0xFFFFD800  }
0x51: {  	_ =	sfence.sel $0x180000  }
0x52: {  	[bflag:$0x0] =	sbarrier.arrive $0xFFFF  }
0x53: {  	p0 =	sne.s32 s2, $0x0;
	_ =	strace $0x90000047  }
0x54: {  	s0 =	sadd.s32 @!p0 $0x100000, s0;
	[bflag:$0x2] =	sbarrier.arrive $0xFFFF  }
0x55: {  	[sflag:s0] =	ssyncadd.tile.s32 @!p0 $0x1;
	_ =	shalt  }
.Lfunc_end2:
_tile_overlayer_lowered:
.L_overlay_start_2:
0x56: {  	(tag) =	ssettag $0x2  }
0x57: {  	s0 =	rddreg [dreg:$0x0];
	s2 =	stileid.u32  }
0x58: {  	s1 =	rddreg [dreg:$0x1];
	p0 =	sne.s32 s2, $0x0  }
0x59: {  	s3 =	rddreg [dreg:$0x2];
	[bflag:$0x3] =	sbarrier.arrive $0xFFFF;
	s2 =	simm.s32 @!p0 $0x1C03  }
0x5a: {  	[timem:s3], [sflag:s2] =	dma.local @!p0 [hbm:s0], s1  }
0x5b: {  	s0 =	simm.s32 @!p0 $0x3  }
0x5c: {  	_ =	swait.ge @!p0 [sflag:s0], s1  }
0x5d: {  	s1 =	ssub.s32 @!p0 $0x0, s1;
	[sflag:s0] =	ssyncset.done @!p0 $0x0  }
0x5e: {  	[sflag:s0] =	ssyncadd.s32 @!p0 s1  }
0x5f: {  	[bflag:$0x3] =	sbarrier.arrive $0xFFFF  }
0x60: {  	_ =	shalt  }

</sc_bundles>
